<compile_context>
chip_gen: v7x
topology: tpu7x:2x2x1
jax: 0.10.2.dev20260603
libtpu: 0.0.44.dev20260713+nightly
codegen_flags: <defaults>
</compile_context>

<pallas_src>
import functools

import jax
import jax.numpy as jnp
from jax import lax
from jax.experimental import pallas as pl
from jax.experimental.pallas import tpu as pltpu
from jax.experimental.pallas import tpu_sc as plsc

NC = 2
NS = 16
CH = 80
NBUF = 4
SB = 25
NBLK = 5


def _make_agg_kernel(n, d, e):
    nw = NC * NS
    assert e == nw * NBLK * SB * CH
    rows_per_tile = (n // NS) // 8 * 8
    tail_rows = n - rows_per_tile * NS
    tail_base = rows_per_tile * NS
    assert tail_base % 8 == 0 and tail_rows % 8 == 0

    mesh = plsc.VectorSubcoreMesh(core_axis_name="c", subcore_axis_name="s")

    @functools.partial(
        pl.kernel,
        out_type=jax.ShapeDtypeStruct((NC, n, d), jnp.float32),
        mesh=mesh,
        scratch_types=[
            pltpu.VMEM((SB, CH), jnp.int32),
            pltpu.VMEM((SB, CH), jnp.int32),
            pltpu.VMEM((NBUF, CH, d), jnp.float32),
            pltpu.VMEM_SHARED((n, d), jnp.float32),
            pltpu.SemaphoreType.DMA((NBUF,)),
        ],
    )
    def agg(x_hbm, src_hbm, dst_hbm, out_hbm, src_v, dst_v, rows_v, acc_sh, sem):
        c = lax.axis_index("c")
        s = lax.axis_index("s")
        wid = s * NC + c
        row0 = s * rows_per_tile
        pltpu.sync_copy(x_hbm.at[pl.ds(row0, rows_per_tile)],
                        acc_sh.at[pl.ds(row0, rows_per_tile)])
        if tail_rows:
            @pl.when(s == 0)
            def _seed_tail():
                pltpu.sync_copy(x_hbm.at[pl.ds(tail_base, tail_rows)],
                                acc_sh.at[pl.ds(tail_base, tail_rows)])
        plsc.subcore_barrier()

        def block(blk, carry):
            pltpu.sync_copy(src_hbm.at[wid, blk], src_v)
            pltpu.sync_copy(dst_hbm.at[wid, blk], dst_v)

            for b in range(NBUF):
                pltpu.async_copy(x_hbm.at[src_v.at[b]], rows_v.at[b], sem.at[b])

            def body(i, carry2):
                b = lax.bitwise_and(i, NBUF - 1)
                pltpu.make_async_copy(x_hbm.at[src_v.at[i]], rows_v.at[b],
                                      sem.at[b]).wait()
                pltpu.sync_copy(rows_v.at[b], acc_sh.at[dst_v.at[i]], add=True)
                nxt = i + NBUF

                @pl.when(nxt < SB)
                def _start_next():
                    pltpu.async_copy(x_hbm.at[src_v.at[nxt]], rows_v.at[b],
                                     sem.at[b])
                return carry2

            lax.fori_loop(0, SB, body, 0)
            return carry

        lax.fori_loop(0, NBLK, block, 0)
        plsc.subcore_barrier()
        pltpu.sync_copy(acc_sh.at[pl.ds(row0, rows_per_tile)],
                        out_hbm.at[c, pl.ds(row0, rows_per_tile)])
        if tail_rows:
            @pl.when(s == 0)
            def _write_tail():
                pltpu.sync_copy(acc_sh.at[pl.ds(tail_base, tail_rows)],
                                out_hbm.at[c, pl.ds(tail_base, tail_rows)])

    return agg


def _dense_layer(h0, W1, b1, g1, be1, W2, b2, g, be):
    def bn(h, gg, bb):
        m = jnp.mean(h, axis=0, keepdims=True)
        v = jnp.mean(h * h, axis=0, keepdims=True) - m * m
        return (h - m) * lax.rsqrt(v + 1e-5) * gg + bb

    h = jnp.dot(h0, W1, preferred_element_type=jnp.float32) + b1
    h = jnp.maximum(bn(h, g1, be1), 0.0)
    h = jnp.dot(h, W2, preferred_element_type=jnp.float32) + b2
    return jnp.maximum(bn(h, g, be), 0.0)


def _tc_layer0_body(x_ref, p_ref, W1_ref, b1_ref, g1_ref, be1_ref,
                    W2_ref, b2_ref, g_ref, be_ref, out_ref):
    h0 = p_ref[0] + p_ref[1] - x_ref[...]
    out_ref[...] = _dense_layer(h0, W1_ref[...], b1_ref[...], g1_ref[...],
                                be1_ref[...], W2_ref[...], b2_ref[...],
                                g_ref[...], be_ref[...])


def _tc_final_body(h1_ref, p_ref, batch_ref, W1_ref, b1_ref, g1_ref, be1_ref,
                   W2_ref, b2_ref, g_ref, be_ref, fc1W_ref, fc1b_ref,
                   fc2W_ref, fc2b_ref, out_ref, *, num_graphs):
    h1 = h1_ref[...]
    h0 = p_ref[0] + p_ref[1] - h1
    h2 = _dense_layer(h0, W1_ref[...], b1_ref[...], g1_ref[...], be1_ref[...],
                      W2_ref[...], b2_ref[...], g_ref[...], be_ref[...])
    n = h1.shape[0]
    gids = lax.broadcasted_iota(jnp.int32, (num_graphs, n), 0)
    onehot = (batch_ref[...] == gids).astype(jnp.float32)
    cat = jnp.dot(onehot, jnp.concatenate([h1, h2], axis=-1),
                  preferred_element_type=jnp.float32)
    o = jnp.maximum(jnp.dot(cat, fc1W_ref[...],
                            preferred_element_type=jnp.float32) + fc1b_ref[...], 0.0)
    out_ref[...] = jnp.dot(o, fc2W_ref[...],
                           preferred_element_type=jnp.float32) + fc2b_ref[...]


def kernel(x, edge_index, batch,
           W1_0, b1_0, g1_0, be1_0, W2_0, b2_0, g_0, be_0,
           W1_1, b1_1, g1_1, be1_1, W2_1, b2_1, g_1, be_1,
           fc1_W, fc1_b, fc2_W, fc2_b):
    n, d = x.shape
    e = edge_index.shape[1]
    h_dim = W1_0.shape[1]
    num_graphs = 64
    c_dim = fc2_W.shape[1]

    nw = NC * NS
    src2 = edge_index[0].reshape(nw, NBLK, SB, CH)
    dst2 = edge_index[1].reshape(nw, NBLK, SB, CH)
    batch2 = batch.reshape(1, n)

    agg_fn = _make_agg_kernel(n, d, e)

    p0 = agg_fn(x, src2, dst2)
    h1 = pl.pallas_call(
        _tc_layer0_body,
        out_shape=jax.ShapeDtypeStruct((n, h_dim), jnp.float32),
    )(x, p0, W1_0, b1_0.reshape(1, -1), g1_0.reshape(1, -1),
      be1_0.reshape(1, -1), W2_0, b2_0.reshape(1, -1), g_0.reshape(1, -1),
      be_0.reshape(1, -1))

    p1 = agg_fn(h1, src2, dst2)
    out = pl.pallas_call(
        functools.partial(_tc_final_body, num_graphs=num_graphs),
        out_shape=jax.ShapeDtypeStruct((num_graphs, c_dim), jnp.float32),
    )(h1, p1, batch2, W1_1, b1_1.reshape(1, -1), g1_1.reshape(1, -1),
      be1_1.reshape(1, -1), W2_1, b2_1.reshape(1, -1), g_1.reshape(1, -1),
      be_1.reshape(1, -1), fc1_W, fc1_b.reshape(1, -1), fc2_W,
      fc2_b.reshape(1, -1))
    return out

# --- scband reference (transcript-rebuilt; emitter-appended) ---
"""Pipeline reference for scband-ginnet-36421322670663 (READ-ONLY COPY).

The authoritative reference and input builder live on the scoring server;
editing this copy changes nothing except your own understanding.
"""

import jax, jax.numpy as jnp
import numpy as np

N = 10000
E = 320000
D = 128
H = 128
G = 64
C = 16


def setup_inputs(seed: int = 0) -> dict:
    key = jax.random.key(seed)
    ks = jax.random.split(key, 24)
    inp = {}
    inp['x'] = jax.random.normal(ks[0], (N, D), dtype=jnp.float32)
    inp['edge_index'] = jax.random.randint(ks[1], (2, E), 0, N, dtype=jnp.int32)
    inp['batch'] = jnp.sort(jax.random.randint(ks[2], (N,), 0, G, dtype=jnp.int32))
    # layer 0 (in_ch = D)
    inp['W1_0'] = jax.random.normal(ks[3], (D, H), dtype=jnp.float32) * 0.05
    inp['b1_0'] = jnp.zeros((H,), dtype=jnp.float32)
    inp['g1_0'] = jnp.ones((H,), dtype=jnp.float32)
    inp['be1_0'] = jnp.zeros((H,), dtype=jnp.float32)
    inp['W2_0'] = jax.random.normal(ks[4], (H, H), dtype=jnp.float32) * 0.05
    inp['b2_0'] = jnp.zeros((H,), dtype=jnp.float32)
    inp['g_0'] = jnp.ones((H,), dtype=jnp.float32)
    inp['be_0'] = jnp.zeros((H,), dtype=jnp.float32)
    # layer 1 (in_ch = H)
    inp['W1_1'] = jax.random.normal(ks[5], (H, H), dtype=jnp.float32) * 0.05
    inp['b1_1'] = jnp.zeros((H,), dtype=jnp.float32)
    inp['g1_1'] = jnp.ones((H,), dtype=jnp.float32)
    inp['be1_1'] = jnp.zeros((H,), dtype=jnp.float32)
    inp['W2_1'] = jax.random.normal(ks[6], (H, H), dtype=jnp.float32) * 0.05
    inp['b2_1'] = jnp.zeros((H,), dtype=jnp.float32)
    inp['g_1'] = jnp.ones((H,), dtype=jnp.float32)
    inp['be_1'] = jnp.zeros((H,), dtype=jnp.float32)
    # head
    inp['fc1_W'] = jax.random.normal(ks[7], (H * 2, H), dtype=jnp.float32) * 0.05
    inp['fc1_b'] = jnp.zeros((H,), dtype=jnp.float32)
    inp['fc2_W'] = jax.random.normal(ks[8], (H, C), dtype=jnp.float32) * 0.05
    inp['fc2_b'] = jnp.zeros((C,), dtype=jnp.float32)
    return inp


def _bn(h, g, b):
    m = h.mean(axis=0)
    v = h.var(axis=0)
    return (h - m) / jnp.sqrt(v + 1e-5) * g + b


def _gin_conv(x, src, dst, W1, b1, g1, be1, W2, b2):
    # GINConv: MLP((1+eps)*x + sum_{j->i} x_j), eps=0 (default, not trainable)
    agg = jax.ops.segment_sum(x[src], dst, num_segments=N)
    h = x + agg
    h = h @ W1 + b1
    h = _bn(h, g1, be1)
    h = jax.nn.relu(h)
    h = h @ W2 + b2
    return h


def reference(x, edge_index, batch,
              W1_0, b1_0, g1_0, be1_0, W2_0, b2_0, g_0, be_0,
              W1_1, b1_1, g1_1, be1_1, W2_1, b2_1, g_1, be_1,
              fc1_W, fc1_b, fc2_W, fc2_b):
    src = edge_index[0]
    dst = edge_index[1]
    xs = []
    h = x
    h = jax.nn.relu(_bn(_gin_conv(h, src, dst, W1_0, b1_0, g1_0, be1_0, W2_0, b2_0), g_0, be_0))
    xs.append(h)
    h = jax.nn.relu(_bn(_gin_conv(h, src, dst, W1_1, b1_1, g1_1, be1_1, W2_1, b2_1), g_1, be_1))
    xs.append(h)
    # readout='sum' -> global_add_pool per graph
    pooled = [jax.ops.segment_sum(xi, batch, num_segments=G) for xi in xs]
    out = jnp.concatenate(pooled, axis=-1)
    out = jax.nn.relu(out @ fc1_W + fc1_b)
    # dropout is identity at inference
    out = out @ fc2_W + fc2_b
    return out

if __name__ == "__main__":
    import jax
    _d = setup_inputs()
    print(jax.jit(kernel)(*tuple(_d.values())))

</pallas_src>

<mosaic_0001>
#map = affine_map<(d0, d1) -> (0, 0)>
#map1 = affine_map<(d0, d1) -> (0, 0, 0, 0)>
#map2 = affine_map<(d0, d1) -> (0, 0, 0)>
module attributes {stable_mosaic.version = 14 : i64} {
  func.func @agg(%arg0: i32, %arg1: i32, %arg2: memref<10000x128xf32, #tpu.memory_space<hbm>>, %arg3: memref<32x5x25x80xi32, #tpu.memory_space<hbm>>, %arg4: memref<32x5x25x80xi32, #tpu.memory_space<hbm>>, %arg5: memref<2x10000x128xf32, #tpu.memory_space<hbm>>, %arg6: memref<25x80xi32, #tpu.memory_space<vmem>>, %arg7: memref<25x80xi32, #tpu.memory_space<vmem>>, %arg8: memref<4x80x128xf32, #tpu.memory_space<vmem>>, %arg9: memref<10000x128xf32, #tpu.memory_space<vmem_shared>>, %arg10: memref<4x!tpu.dma_semaphore, #tpu.memory_space<semaphore_mem>>) attributes {dimension_semantics = [#tpu.dimension_semantics<core_parallel>, #tpu.dimension_semantics<subcore_parallel>], iteration_bounds = array<i64: 2, 16>, scalar_prefetch = 0 : i64, scratch_operands = 5 : i64, tpu.core_type = #tpu.core_type<sc_vector_subcore>, window_params = [{transform_indices = #map}, {transform_indices = #map1}, {transform_indices = #map1}, {transform_indices = #map2}]} {
    %mul3A = arith.constant 2 : i32
    %mul3A_0 = arith.muli %arg1, %mul3A : i32
    %add3A = arith.addi %mul3A_0, %arg0 : i32
    %mul3A_1 = arith.constant 624 : i32
    %mul3A_2 = arith.muli %arg1, %mul3A_1 : i32
    "tpu.region"() ({
      %run_scoped3A = tpu.sem_alloc : memref<!tpu.dma_semaphore, #tpu.memory_space<semaphore_mem>>
      %dma_start3A = arith.constant 0 : i32
      %dma_start3A_16 = tpu.memref_slice %arg9[%mul3A_2, %dma_start3A] : memref<10000x128xf32, #tpu.memory_space<vmem_shared>> -> memref<624x128xf32, #tpu.memory_space<vmem_shared>>
      %dma_start3A_17 = arith.constant 0 : i32
      %dma_start3A_18 = tpu.memref_slice %arg2[%mul3A_2, %dma_start3A_17] : memref<10000x128xf32, #tpu.memory_space<hbm>> -> memref<624x128xf32, #tpu.memory_space<hbm>>
      tpu.enqueue_dma source(%dma_start3A_18 : memref<624x128xf32, #tpu.memory_space<hbm>>) target(%dma_start3A_16 : memref<624x128xf32, #tpu.memory_space<vmem_shared>>) target_semaphore(%run_scoped3A : memref<!tpu.dma_semaphore, #tpu.memory_space<semaphore_mem>>)
      %dma_wait3A = arith.constant 0 : i32
      %dma_wait3A_19 = tpu.memref_slice %arg9[%mul3A_2, %dma_wait3A] : memref<10000x128xf32, #tpu.memory_space<vmem_shared>> -> memref<624x128xf32, #tpu.memory_space<vmem_shared>>
      %dma_wait3A_20 = arith.constant 0 : i32
      %dma_wait3A_21 = tpu.memref_slice %arg2[%mul3A_2, %dma_wait3A_20] : memref<10000x128xf32, #tpu.memory_space<hbm>> -> memref<624x128xf32, #tpu.memory_space<hbm>>
      tpu.wait_dma2 semaphore(%run_scoped3A : memref<!tpu.dma_semaphore, #tpu.memory_space<semaphore_mem>>) src(%dma_wait3A_21 : memref<624x128xf32, #tpu.memory_space<hbm>>) dst(%dma_wait3A_19 : memref<624x128xf32, #tpu.memory_space<vmem_shared>>)
      tpu.yield
    }) : () -> ()
    %eq3A = arith.constant 0 : i32
    %eq3A_3 = arith.cmpi eq, %arg1, %eq3A : i32
    %convert_element_type3A = arith.extui %eq3A_3 : i1 to i32
    %cond3A = arith.constant 0 : i32
    %cond3A_4 = arith.cmpi ne, %convert_element_type3A, %cond3A : i32
    scf.if %cond3A_4 {
      "tpu.region"() ({
        %run_scoped3A = tpu.sem_alloc : memref<!tpu.dma_semaphore, #tpu.memory_space<semaphore_mem>>
        %dma_start3A = arith.constant 9984 : i32
        %dma_start3A_16 = arith.constant 0 : i32
        %dma_start3A_17 = tpu.memref_slice %arg9[%dma_start3A, %dma_start3A_16] : memref<10000x128xf32, #tpu.memory_space<vmem_shared>> -> memref<16x128xf32, #tpu.memory_space<vmem_shared>>
        %dma_start3A_18 = arith.constant 9984 : i32
        %dma_start3A_19 = arith.constant 0 : i32
        %dma_start3A_20 = tpu.memref_slice %arg2[%dma_start3A_18, %dma_start3A_19] : memref<10000x128xf32, #tpu.memory_space<hbm>> -> memref<16x128xf32, #tpu.memory_space<hbm>>
        tpu.enqueue_dma source(%dma_start3A_20 : memref<16x128xf32, #tpu.memory_space<hbm>>) target(%dma_start3A_17 : memref<16x128xf32, #tpu.memory_space<vmem_shared>>) target_semaphore(%run_scoped3A : memref<!tpu.dma_semaphore, #tpu.memory_space<semaphore_mem>>)
        %dma_wait3A = arith.constant 9984 : i32
        %dma_wait3A_21 = arith.constant 0 : i32
        %dma_wait3A_22 = tpu.memref_slice %arg9[%dma_wait3A, %dma_wait3A_21] : memref<10000x128xf32, #tpu.memory_space<vmem_shared>> -> memref<16x128xf32, #tpu.memory_space<vmem_shared>>
        %dma_wait3A_23 = arith.constant 9984 : i32
        %dma_wait3A_24 = arith.constant 0 : i32
        %dma_wait3A_25 = tpu.memref_slice %arg2[%dma_wait3A_23, %dma_wait3A_24] : memref<10000x128xf32, #tpu.memory_space<hbm>> -> memref<16x128xf32, #tpu.memory_space<hbm>>
        tpu.wait_dma2 semaphore(%run_scoped3A : memref<!tpu.dma_semaphore, #tpu.memory_space<semaphore_mem>>) src(%dma_wait3A_25 : memref<16x128xf32, #tpu.memory_space<hbm>>) dst(%dma_wait3A_22 : memref<16x128xf32, #tpu.memory_space<vmem_shared>>)
        tpu.yield
      }) : () -> ()
    } else {
    }
    %barrier3A = arith.constant 0 : index
    tpu.barrier barrier_id(%barrier3A)
    %scan3A = arith.constant 0 : i32
    %scan3A_5 = arith.constant 0 : i32
    %scan3A_6 = arith.constant 5 : i32
    %scan3A_7 = arith.addi %scan3A_5, %scan3A_6 : i32
    %scan3A_8 = arith.constant 1 : i32
    scf.for %scan3A_16 = %scan3A_5 to %scan3A_7 step %scan3A_8  : i32 {
      "tpu.region"() ({
        %run_scoped3A = tpu.sem_alloc : memref<!tpu.dma_semaphore, #tpu.memory_space<semaphore_mem>>
        %dma_start3A_82 = arith.constant 0 : i32
        %dma_start3A_83 = arith.constant 0 : i32
        %dma_start3A_84 = tpu.memref_slice %arg3[%add3A, %scan3A_16, %dma_start3A_82, %dma_start3A_83] : memref<32x5x25x80xi32, #tpu.memory_space<hbm>> -> memref<1x1x25x80xi32, #tpu.memory_space<hbm>>
        %dma_start3A_85 = tpu.memref_squeeze %dma_start3A_84 : memref<1x1x25x80xi32, #tpu.memory_space<hbm>> -> memref<25x80xi32, #tpu.memory_space<hbm>>
        %dma_start3A_86 = arith.constant 0 : i32
        %dma_start3A_87 = arith.constant 0 : i32
        %dma_start3A_88 = tpu.memref_slice %arg3[%add3A, %scan3A_16, %dma_start3A_86, %dma_start3A_87] : memref<32x5x25x80xi32, #tpu.memory_space<hbm>> -> memref<1x1x25x80xi32, #tpu.memory_space<hbm>>
        %dma_start3A_89 = tpu.memref_squeeze %dma_start3A_88 : memref<1x1x25x80xi32, #tpu.memory_space<hbm>> -> memref<25x80xi32, #tpu.memory_space<hbm>>
        tpu.enqueue_dma source(%dma_start3A_89 : memref<25x80xi32, #tpu.memory_space<hbm>>) target(%arg6 : memref<25x80xi32, #tpu.memory_space<vmem>>) target_semaphore(%run_scoped3A : memref<!tpu.dma_semaphore, #tpu.memory_space<semaphore_mem>>)
        %dma_wait3A = arith.constant 0 : i32
        %dma_wait3A_90 = arith.constant 0 : i32
        %dma_wait3A_91 = tpu.memref_slice %arg3[%add3A, %scan3A_16, %dma_wait3A, %dma_wait3A_90] : memref<32x5x25x80xi32, #tpu.memory_space<hbm>> -> memref<1x1x25x80xi32, #tpu.memory_space<hbm>>
        %dma_wait3A_92 = tpu.memref_squeeze %dma_wait3A_91 : memref<1x1x25x80xi32, #tpu.memory_space<hbm>> -> memref<25x80xi32, #tpu.memory_space<hbm>>
        %dma_wait3A_93 = arith.constant 0 : i32
        %dma_wait3A_94 = arith.constant 0 : i32
        %dma_wait3A_95 = tpu.memref_slice %arg3[%add3A, %scan3A_16, %dma_wait3A_93, %dma_wait3A_94] : memref<32x5x25x80xi32, #tpu.memory_space<hbm>> -> memref<1x1x25x80xi32, #tpu.memory_space<hbm>>
        %dma_wait3A_96 = tpu.memref_squeeze %dma_wait3A_95 : memref<1x1x25x80xi32, #tpu.memory_space<hbm>> -> memref<25x80xi32, #tpu.memory_space<hbm>>
        tpu.wait_dma2 semaphore(%run_scoped3A : memref<!tpu.dma_semaphore, #tpu.memory_space<semaphore_mem>>) src(%dma_wait3A_96 : memref<25x80xi32, #tpu.memory_space<hbm>>) dst(%arg6 : memref<25x80xi32, #tpu.memory_space<vmem>>)
        tpu.yield
      }) : () -> ()
      "tpu.region"() ({
        %run_scoped3A = tpu.sem_alloc : memref<!tpu.dma_semaphore, #tpu.memory_space<semaphore_mem>>
        %dma_start3A_82 = arith.constant 0 : i32
        %dma_start3A_83 = arith.constant 0 : i32
        %dma_start3A_84 = tpu.memref_slice %arg4[%add3A, %scan3A_16, %dma_start3A_82, %dma_start3A_83] : memref<32x5x25x80xi32, #tpu.memory_space<hbm>> -> memref<1x1x25x80xi32, #tpu.memory_space<hbm>>
        %dma_start3A_85 = tpu.memref_squeeze %dma_start3A_84 : memref<1x1x25x80xi32, #tpu.memory_space<hbm>> -> memref<25x80xi32, #tpu.memory_space<hbm>>
        %dma_start3A_86 = arith.constant 0 : i32
        %dma_start3A_87 = arith.constant 0 : i32
        %dma_start3A_88 = tpu.memref_slice %arg4[%add3A, %scan3A_16, %dma_start3A_86, %dma_start3A_87] : memref<32x5x25x80xi32, #tpu.memory_space<hbm>> -> memref<1x1x25x80xi32, #tpu.memory_space<hbm>>
        %dma_start3A_89 = tpu.memref_squeeze %dma_start3A_88 : memref<1x1x25x80xi32, #tpu.memory_space<hbm>> -> memref<25x80xi32, #tpu.memory_space<hbm>>
        tpu.enqueue_dma source(%dma_start3A_89 : memref<25x80xi32, #tpu.memory_space<hbm>>) target(%arg7 : memref<25x80xi32, #tpu.memory_space<vmem>>) target_semaphore(%run_scoped3A : memref<!tpu.dma_semaphore, #tpu.memory_space<semaphore_mem>>)
        %dma_wait3A = arith.constant 0 : i32
        %dma_wait3A_90 = arith.constant 0 : i32
        %dma_wait3A_91 = tpu.memref_slice %arg4[%add3A, %scan3A_16, %dma_wait3A, %dma_wait3A_90] : memref<32x5x25x80xi32, #tpu.memory_space<hbm>> -> memref<1x1x25x80xi32, #tpu.memory_space<hbm>>
        %dma_wait3A_92 = tpu.memref_squeeze %dma_wait3A_91 : memref<1x1x25x80xi32, #tpu.memory_space<hbm>> -> memref<25x80xi32, #tpu.memory_space<hbm>>
        %dma_wait3A_93 = arith.constant 0 : i32
        %dma_wait3A_94 = arith.constant 0 : i32
        %dma_wait3A_95 = tpu.memref_slice %arg4[%add3A, %scan3A_16, %dma_wait3A_93, %dma_wait3A_94] : memref<32x5x25x80xi32, #tpu.memory_space<hbm>> -> memref<1x1x25x80xi32, #tpu.memory_space<hbm>>
        %dma_wait3A_96 = tpu.memref_squeeze %dma_wait3A_95 : memref<1x1x25x80xi32, #tpu.memory_space<hbm>> -> memref<25x80xi32, #tpu.memory_space<hbm>>
        tpu.wait_dma2 semaphore(%run_scoped3A : memref<!tpu.dma_semaphore, #tpu.memory_space<semaphore_mem>>) src(%dma_wait3A_96 : memref<25x80xi32, #tpu.memory_space<hbm>>) dst(%arg7 : memref<25x80xi32, #tpu.memory_space<vmem>>)
        tpu.yield
      }) : () -> ()
      %dma_start3A = arith.constant 0 : i32
      %dma_start3A_17 = arith.constant 0 : i32
      %dma_start3A_18 = arith.constant 0 : i32
      %dma_start3A_19 = arith.constant 0 : i32
      %dma_start3A_20 = arith.constant 0 : i32
      %dma_start3A_21 = tpu.memref_slice %arg8[%dma_start3A_17, %dma_start3A_19, %dma_start3A_20] : memref<4x80x128xf32, #tpu.memory_space<vmem>> -> memref<1x80x128xf32, #tpu.memory_space<vmem>>
      %dma_start3A_22 = tpu.memref_squeeze %dma_start3A_21 : memref<1x80x128xf32, #tpu.memory_space<vmem>> -> memref<80x128xf32, #tpu.memory_space<vmem>>
      %dma_start3A_23 = arith.constant 0 : i32
      %dma_start3A_24 = tpu.memref_slice %arg6[%dma_start3A, %dma_start3A_23] : memref<25x80xi32, #tpu.memory_space<vmem>> -> memref<1x80xi32, #tpu.memory_space<vmem>>
      %dma_start3A_25 = tpu.memref_squeeze %dma_start3A_24 : memref<1x80xi32, #tpu.memory_space<vmem>> -> memref<80xi32, #tpu.memory_space<vmem>>
      %dma_start3A_26 = arith.constant 0 : i32
      %dma_start3A_27 = arith.constant 0 : i32
      %dma_start3A_28 = tpu.memref_slice %arg2[%dma_start3A_26, %dma_start3A_27] : memref<10000x128xf32, #tpu.memory_space<hbm>> -> memref<10000x128xf32, #tpu.memory_space<hbm>>
      %dma_start3A_29 = tpu.memref_slice %arg10[%dma_start3A_18] : memref<4x!tpu.dma_semaphore, #tpu.memory_space<semaphore_mem>> -> memref<1x!tpu.dma_semaphore, #tpu.memory_space<semaphore_mem>>
      %dma_start3A_30 = tpu.memref_squeeze %dma_start3A_29 : memref<1x!tpu.dma_semaphore, #tpu.memory_space<semaphore_mem>> -> memref<!tpu.dma_semaphore, #tpu.memory_space<semaphore_mem>>
      tpu.enqueue_indirect_dma source(%dma_start3A_28 : memref<10000x128xf32, #tpu.memory_space<hbm>>) target(%dma_start3A_22 : memref<80x128xf32, #tpu.memory_space<vmem>>) offsets(%dma_start3A_25 : memref<80xi32, #tpu.memory_space<vmem>>) semaphore(%dma_start3A_30 : memref<!tpu.dma_semaphore, #tpu.memory_space<semaphore_mem>>)
      %dma_start3A_31 = arith.constant 1 : i32
      %dma_start3A_32 = arith.constant 1 : i32
      %dma_start3A_33 = arith.constant 1 : i32
      %dma_start3A_34 = arith.constant 0 : i32
      %dma_start3A_35 = arith.constant 0 : i32
      %dma_start3A_36 = tpu.memref_slice %arg8[%dma_start3A_32, %dma_start3A_34, %dma_start3A_35] : memref<4x80x128xf32, #tpu.memory_space<vmem>> -> memref<1x80x128xf32, #tpu.memory_space<vmem>>
      %dma_start3A_37 = tpu.memref_squeeze %dma_start3A_36 : memref<1x80x128xf32, #tpu.memory_space<vmem>> -> memref<80x128xf32, #tpu.memory_space<vmem>>
      %dma_start3A_38 = arith.constant 0 : i32
      %dma_start3A_39 = tpu.memref_slice %arg6[%dma_start3A_31, %dma_start3A_38] : memref<25x80xi32, #tpu.memory_space<vmem>> -> memref<1x80xi32, #tpu.memory_space<vmem>>
      %dma_start3A_40 = tpu.memref_squeeze %dma_start3A_39 : memref<1x80xi32, #tpu.memory_space<vmem>> -> memref<80xi32, #tpu.memory_space<vmem>>
      %dma_start3A_41 = arith.constant 0 : i32
      %dma_start3A_42 = arith.constant 0 : i32
      %dma_start3A_43 = tpu.memref_slice %arg2[%dma_start3A_41, %dma_start3A_42] : memref<10000x128xf32, #tpu.memory_space<hbm>> -> memref<10000x128xf32, #tpu.memory_space<hbm>>
      %dma_start3A_44 = tpu.memref_slice %arg10[%dma_start3A_33] : memref<4x!tpu.dma_semaphore, #tpu.memory_space<semaphore_mem>> -> memref<1x!tpu.dma_semaphore, #tpu.memory_space<semaphore_mem>>
      %dma_start3A_45 = tpu.memref_squeeze %dma_start3A_44 : memref<1x!tpu.dma_semaphore, #tpu.memory_space<semaphore_mem>> -> memref<!tpu.dma_semaphore, #tpu.memory_space<semaphore_mem>>
      tpu.enqueue_indirect_dma source(%dma_start3A_43 : memref<10000x128xf32, #tpu.memory_space<hbm>>) target(%dma_start3A_37 : memref<80x128xf32, #tpu.memory_space<vmem>>) offsets(%dma_start3A_40 : memref<80xi32, #tpu.memory_space<vmem>>) semaphore(%dma_start3A_45 : memref<!tpu.dma_semaphore, #tpu.memory_space<semaphore_mem>>)
      %dma_start3A_46 = arith.constant 2 : i32
      %dma_start3A_47 = arith.constant 2 : i32
      %dma_start3A_48 = arith.constant 2 : i32
      %dma_start3A_49 = arith.constant 0 : i32
      %dma_start3A_50 = arith.constant 0 : i32
      %dma_start3A_51 = tpu.memref_slice %arg8[%dma_start3A_47, %dma_start3A_49, %dma_start3A_50] : memref<4x80x128xf32, #tpu.memory_space<vmem>> -> memref<1x80x128xf32, #tpu.memory_space<vmem>>
      %dma_start3A_52 = tpu.memref_squeeze %dma_start3A_51 : memref<1x80x128xf32, #tpu.memory_space<vmem>> -> memref<80x128xf32, #tpu.memory_space<vmem>>
      %dma_start3A_53 = arith.constant 0 : i32
      %dma_start3A_54 = tpu.memref_slice %arg6[%dma_start3A_46, %dma_start3A_53] : memref<25x80xi32, #tpu.memory_space<vmem>> -> memref<1x80xi32, #tpu.memory_space<vmem>>
      %dma_start3A_55 = tpu.memref_squeeze %dma_start3A_54 : memref<1x80xi32, #tpu.memory_space<vmem>> -> memref<80xi32, #tpu.memory_space<vmem>>
      %dma_start3A_56 = arith.constant 0 : i32
      %dma_start3A_57 = arith.constant 0 : i32
      %dma_start3A_58 = tpu.memref_slice %arg2[%dma_start3A_56, %dma_start3A_57] : memref<10000x128xf32, #tpu.memory_space<hbm>> -> memref<10000x128xf32, #tpu.memory_space<hbm>>
      %dma_start3A_59 = tpu.memref_slice %arg10[%dma_start3A_48] : memref<4x!tpu.dma_semaphore, #tpu.memory_space<semaphore_mem>> -> memref<1x!tpu.dma_semaphore, #tpu.memory_space<semaphore_mem>>
      %dma_start3A_60 = tpu.memref_squeeze %dma_start3A_59 : memref<1x!tpu.dma_semaphore, #tpu.memory_space<semaphore_mem>> -> memref<!tpu.dma_semaphore, #tpu.memory_space<semaphore_mem>>
      tpu.enqueue_indirect_dma source(%dma_start3A_58 : memref<10000x128xf32, #tpu.memory_space<hbm>>) target(%dma_start3A_52 : memref<80x128xf32, #tpu.memory_space<vmem>>) offsets(%dma_start3A_55 : memref<80xi32, #tpu.memory_space<vmem>>) semaphore(%dma_start3A_60 : memref<!tpu.dma_semaphore, #tpu.memory_space<semaphore_mem>>)
      %dma_start3A_61 = arith.constant 3 : i32
      %dma_start3A_62 = arith.constant 3 : i32
      %dma_start3A_63 = arith.constant 3 : i32
      %dma_start3A_64 = arith.constant 0 : i32
      %dma_start3A_65 = arith.constant 0 : i32
      %dma_start3A_66 = tpu.memref_slice %arg8[%dma_start3A_62, %dma_start3A_64, %dma_start3A_65] : memref<4x80x128xf32, #tpu.memory_space<vmem>> -> memref<1x80x128xf32, #tpu.memory_space<vmem>>
      %dma_start3A_67 = tpu.memref_squeeze %dma_start3A_66 : memref<1x80x128xf32, #tpu.memory_space<vmem>> -> memref<80x128xf32, #tpu.memory_space<vmem>>
      %dma_start3A_68 = arith.constant 0 : i32
      %dma_start3A_69 = tpu.memref_slice %arg6[%dma_start3A_61, %dma_start3A_68] : memref<25x80xi32, #tpu.memory_space<vmem>> -> memref<1x80xi32, #tpu.memory_space<vmem>>
      %dma_start3A_70 = tpu.memref_squeeze %dma_start3A_69 : memref<1x80xi32, #tpu.memory_space<vmem>> -> memref<80xi32, #tpu.memory_space<vmem>>
      %dma_start3A_71 = arith.constant 0 : i32
      %dma_start3A_72 = arith.constant 0 : i32
      %dma_start3A_73 = tpu.memref_slice %arg2[%dma_start3A_71, %dma_start3A_72] : memref<10000x128xf32, #tpu.memory_space<hbm>> -> memref<10000x128xf32, #tpu.memory_space<hbm>>
      %dma_start3A_74 = tpu.memref_slice %arg10[%dma_start3A_63] : memref<4x!tpu.dma_semaphore, #tpu.memory_space<semaphore_mem>> -> memref<1x!tpu.dma_semaphore, #tpu.memory_space<semaphore_mem>>
      %dma_start3A_75 = tpu.memref_squeeze %dma_start3A_74 : memref<1x!tpu.dma_semaphore, #tpu.memory_space<semaphore_mem>> -> memref<!tpu.dma_semaphore, #tpu.memory_space<semaphore_mem>>
      tpu.enqueue_indirect_dma source(%dma_start3A_73 : memref<10000x128xf32, #tpu.memory_space<hbm>>) target(%dma_start3A_67 : memref<80x128xf32, #tpu.memory_space<vmem>>) offsets(%dma_start3A_70 : memref<80xi32, #tpu.memory_space<vmem>>) semaphore(%dma_start3A_75 : memref<!tpu.dma_semaphore, #tpu.memory_space<semaphore_mem>>)
      %scan3A_76 = arith.constant 0 : i32
      %scan3A_77 = arith.constant 0 : i32
      %scan3A_78 = arith.constant 25 : i32
      %scan3A_79 = arith.addi %scan3A_77, %scan3A_78 : i32
      %scan3A_80 = arith.constant 1 : i32
      scf.for %scan3A_82 = %scan3A_77 to %scan3A_79 step %scan3A_80  : i32 {
        %and3A = arith.constant 3 : i32
        %and3A_83 = arith.andi %scan3A_82, %and3A : i32
        %dma_wait3A = arith.constant 0 : i32
        %dma_wait3A_84 = arith.constant 0 : i32
        %dma_wait3A_85 = tpu.memref_slice %arg8[%and3A_83, %dma_wait3A, %dma_wait3A_84] : memref<4x80x128xf32, #tpu.memory_space<vmem>> -> memref<1x80x128xf32, #tpu.memory_space<vmem>>
        %dma_wait3A_86 = tpu.memref_squeeze %dma_wait3A_85 : memref<1x80x128xf32, #tpu.memory_space<vmem>> -> memref<80x128xf32, #tpu.memory_space<vmem>>
        %dma_wait3A_87 = arith.constant 0 : i32
        %dma_wait3A_88 = tpu.memref_slice %arg6[%scan3A_82, %dma_wait3A_87] : memref<25x80xi32, #tpu.memory_space<vmem>> -> memref<1x80xi32, #tpu.memory_space<vmem>>
        %dma_wait3A_89 = tpu.memref_squeeze %dma_wait3A_88 : memref<1x80xi32, #tpu.memory_space<vmem>> -> memref<80xi32, #tpu.memory_space<vmem>>
        %dma_wait3A_90 = arith.constant 0 : i32
        %dma_wait3A_91 = arith.constant 0 : i32
        %dma_wait3A_92 = tpu.memref_slice %arg2[%dma_wait3A_90, %dma_wait3A_91] : memref<10000x128xf32, #tpu.memory_space<hbm>> -> memref<10000x128xf32, #tpu.memory_space<hbm>>
        %dma_wait3A_93 = tpu.memref_slice %arg10[%and3A_83] : memref<4x!tpu.dma_semaphore, #tpu.memory_space<semaphore_mem>> -> memref<1x!tpu.dma_semaphore, #tpu.memory_space<semaphore_mem>>
        %dma_wait3A_94 = tpu.memref_squeeze %dma_wait3A_93 : memref<1x!tpu.dma_semaphore, #tpu.memory_space<semaphore_mem>> -> memref<!tpu.dma_semaphore, #tpu.memory_space<semaphore_mem>>
        tpu.wait_indirect_dma semaphore(%dma_wait3A_94 : memref<!tpu.dma_semaphore, #tpu.memory_space<semaphore_mem>>) src(%dma_wait3A_92 : memref<10000x128xf32, #tpu.memory_space<hbm>>) dst(%dma_wait3A_86 : memref<80x128xf32, #tpu.memory_space<vmem>>)
        "tpu.region"() ({
          %run_scoped3A = tpu.sem_alloc : memref<!tpu.dma_semaphore, #tpu.memory_space<semaphore_mem>>
          %dma_start3A_101 = arith.constant 0 : i32
          %dma_start3A_102 = arith.constant 0 : i32
          %dma_start3A_103 = tpu.memref_slice %arg8[%and3A_83, %dma_start3A_101, %dma_start3A_102] : memref<4x80x128xf32, #tpu.memory_space<vmem>> -> memref<1x80x128xf32, #tpu.memory_space<vmem>>
          %dma_start3A_104 = tpu.memref_squeeze %dma_start3A_103 : memref<1x80x128xf32, #tpu.memory_space<vmem>> -> memref<80x128xf32, #tpu.memory_space<vmem>>
          %dma_start3A_105 = arith.constant 0 : i32
          %dma_start3A_106 = tpu.memref_slice %arg7[%scan3A_82, %dma_start3A_105] : memref<25x80xi32, #tpu.memory_space<vmem>> -> memref<1x80xi32, #tpu.memory_space<vmem>>
          %dma_start3A_107 = tpu.memref_squeeze %dma_start3A_106 : memref<1x80xi32, #tpu.memory_space<vmem>> -> memref<80xi32, #tpu.memory_space<vmem>>
          %dma_start3A_108 = arith.constant 0 : i32
          %dma_start3A_109 = arith.constant 0 : i32
          %dma_start3A_110 = tpu.memref_slice %arg9[%dma_start3A_108, %dma_start3A_109] : memref<10000x128xf32, #tpu.memory_space<vmem_shared>> -> memref<10000x128xf32, #tpu.memory_space<vmem_shared>>
          tpu.enqueue_indirect_dma source(%dma_start3A_104 : memref<80x128xf32, #tpu.memory_space<vmem>>) target(%dma_start3A_110 : memref<10000x128xf32, #tpu.memory_space<vmem_shared>>) offsets(%dma_start3A_107 : memref<80xi32, #tpu.memory_space<vmem>>) semaphore(%run_scoped3A : memref<!tpu.dma_semaphore, #tpu.memory_space<semaphore_mem>>) {add = true}
          %dma_wait3A_111 = arith.constant 0 : i32
          %dma_wait3A_112 = arith.constant 0 : i32
          %dma_wait3A_113 = tpu.memref_slice %arg8[%and3A_83, %dma_wait3A_111, %dma_wait3A_112] : memref<4x80x128xf32, #tpu.memory_space<vmem>> -> memref<1x80x128xf32, #tpu.memory_space<vmem>>
          %dma_wait3A_114 = tpu.memref_squeeze %dma_wait3A_113 : memref<1x80x128xf32, #tpu.memory_space<vmem>> -> memref<80x128xf32, #tpu.memory_space<vmem>>
          %dma_wait3A_115 = arith.constant 0 : i32
          %dma_wait3A_116 = tpu.memref_slice %arg7[%scan3A_82, %dma_wait3A_115] : memref<25x80xi32, #tpu.memory_space<vmem>> -> memref<1x80xi32, #tpu.memory_space<vmem>>
          %dma_wait3A_117 = tpu.memref_squeeze %dma_wait3A_116 : memref<1x80xi32, #tpu.memory_space<vmem>> -> memref<80xi32, #tpu.memory_space<vmem>>
          %dma_wait3A_118 = arith.constant 0 : i32
          %dma_wait3A_119 = arith.constant 0 : i32
          %dma_wait3A_120 = tpu.memref_slice %arg9[%dma_wait3A_118, %dma_wait3A_119] : memref<10000x128xf32, #tpu.memory_space<vmem_shared>> -> memref<10000x128xf32, #tpu.memory_space<vmem_shared>>
          tpu.wait_indirect_dma semaphore(%run_scoped3A : memref<!tpu.dma_semaphore, #tpu.memory_space<semaphore_mem>>) src(%dma_wait3A_114 : memref<80x128xf32, #tpu.memory_space<vmem>>) dst(%dma_wait3A_120 : memref<10000x128xf32, #tpu.memory_space<vmem_shared>>)
          tpu.yield
        }) : () -> ()
        %add3A_95 = arith.constant 4 : i32
        %add3A_96 = arith.addi %scan3A_82, %add3A_95 : i32
        %lt3A = arith.constant 25 : i32
        %lt3A_97 = arith.cmpi slt, %add3A_96, %lt3A : i32
        %convert_element_type3A_98 = arith.extui %lt3A_97 : i1 to i32
        %cond3A_99 = arith.constant 0 : i32
        %cond3A_100 = arith.cmpi ne, %convert_element_type3A_98, %cond3A_99 : i32
        scf.if %cond3A_100 {
          %dma_start3A_101 = arith.constant 0 : i32
          %dma_start3A_102 = arith.constant 0 : i32
          %dma_start3A_103 = tpu.memref_slice %arg8[%and3A_83, %dma_start3A_101, %dma_start3A_102] : memref<4x80x128xf32, #tpu.memory_space<vmem>> -> memref<1x80x128xf32, #tpu.memory_space<vmem>>
          %dma_start3A_104 = tpu.memref_squeeze %dma_start3A_103 : memref<1x80x128xf32, #tpu.memory_space<vmem>> -> memref<80x128xf32, #tpu.memory_space<vmem>>
          %dma_start3A_105 = arith.constant 0 : i32
          %dma_start3A_106 = tpu.memref_slice %arg6[%add3A_96, %dma_start3A_105] : memref<25x80xi32, #tpu.memory_space<vmem>> -> memref<1x80xi32, #tpu.memory_space<vmem>>
          %dma_start3A_107 = tpu.memref_squeeze %dma_start3A_106 : memref<1x80xi32, #tpu.memory_space<vmem>> -> memref<80xi32, #tpu.memory_space<vmem>>
          %dma_start3A_108 = arith.constant 0 : i32
          %dma_start3A_109 = arith.constant 0 : i32
          %dma_start3A_110 = tpu.memref_slice %arg2[%dma_start3A_108, %dma_start3A_109] : memref<10000x128xf32, #tpu.memory_space<hbm>> -> memref<10000x128xf32, #tpu.memory_space<hbm>>
          %dma_start3A_111 = tpu.memref_slice %arg10[%and3A_83] : memref<4x!tpu.dma_semaphore, #tpu.memory_space<semaphore_mem>> -> memref<1x!tpu.dma_semaphore, #tpu.memory_space<semaphore_mem>>
          %dma_start3A_112 = tpu.memref_squeeze %dma_start3A_111 : memref<1x!tpu.dma_semaphore, #tpu.memory_space<semaphore_mem>> -> memref<!tpu.dma_semaphore, #tpu.memory_space<semaphore_mem>>
          tpu.enqueue_indirect_dma source(%dma_start3A_110 : memref<10000x128xf32, #tpu.memory_space<hbm>>) target(%dma_start3A_104 : memref<80x128xf32, #tpu.memory_space<vmem>>) offsets(%dma_start3A_107 : memref<80xi32, #tpu.memory_space<vmem>>) semaphore(%dma_start3A_112 : memref<!tpu.dma_semaphore, #tpu.memory_space<semaphore_mem>>)
        } else {
        }
      }
      %scan3A_81 = arith.constant 25 : i32
    }
    %scan3A_9 = arith.constant 5 : i32
    %barrier3A_10 = arith.constant 0 : index
    tpu.barrier barrier_id(%barrier3A_10)
    "tpu.region"() ({
      %run_scoped3A = tpu.sem_alloc : memref<!tpu.dma_semaphore, #tpu.memory_space<semaphore_mem>>
      %dma_start3A = arith.constant 0 : i32
      %dma_start3A_16 = tpu.memref_slice %arg5[%arg0, %mul3A_2, %dma_start3A] : memref<2x10000x128xf32, #tpu.memory_space<hbm>> -> memref<1x624x128xf32, #tpu.memory_space<hbm>>
      %dma_start3A_17 = tpu.memref_squeeze %dma_start3A_16 : memref<1x624x128xf32, #tpu.memory_space<hbm>> -> memref<624x128xf32, #tpu.memory_space<hbm>>
      %dma_start3A_18 = arith.constant 0 : i32
      %dma_start3A_19 = tpu.memref_slice %arg9[%mul3A_2, %dma_start3A_18] : memref<10000x128xf32, #tpu.memory_space<vmem_shared>> -> memref<624x128xf32, #tpu.memory_space<vmem_shared>>
      tpu.enqueue_dma source(%dma_start3A_19 : memref<624x128xf32, #tpu.memory_space<vmem_shared>>) target(%dma_start3A_17 : memref<624x128xf32, #tpu.memory_space<hbm>>) target_semaphore(%run_scoped3A : memref<!tpu.dma_semaphore, #tpu.memory_space<semaphore_mem>>)
      %dma_wait3A = arith.constant 0 : i32
      %dma_wait3A_20 = tpu.memref_slice %arg5[%arg0, %mul3A_2, %dma_wait3A] : memref<2x10000x128xf32, #tpu.memory_space<hbm>> -> memref<1x624x128xf32, #tpu.memory_space<hbm>>
      %dma_wait3A_21 = tpu.memref_squeeze %dma_wait3A_20 : memref<1x624x128xf32, #tpu.memory_space<hbm>> -> memref<624x128xf32, #tpu.memory_space<hbm>>
      %dma_wait3A_22 = arith.constant 0 : i32
      %dma_wait3A_23 = tpu.memref_slice %arg9[%mul3A_2, %dma_wait3A_22] : memref<10000x128xf32, #tpu.memory_space<vmem_shared>> -> memref<624x128xf32, #tpu.memory_space<vmem_shared>>
      tpu.wait_dma2 semaphore(%run_scoped3A : memref<!tpu.dma_semaphore, #tpu.memory_space<semaphore_mem>>) src(%dma_wait3A_23 : memref<624x128xf32, #tpu.memory_space<vmem_shared>>) dst(%dma_wait3A_21 : memref<624x128xf32, #tpu.memory_space<hbm>>)
      tpu.yield
    }) : () -> ()
    %eq3A_11 = arith.constant 0 : i32
    %eq3A_12 = arith.cmpi eq, %arg1, %eq3A_11 : i32
    %convert_element_type3A_13 = arith.extui %eq3A_12 : i1 to i32
    %cond3A_14 = arith.constant 0 : i32
    %cond3A_15 = arith.cmpi ne, %convert_element_type3A_13, %cond3A_14 : i32
    scf.if %cond3A_15 {
      "tpu.region"() ({
        %run_scoped3A = tpu.sem_alloc : memref<!tpu.dma_semaphore, #tpu.memory_space<semaphore_mem>>
        %dma_start3A = arith.constant 9984 : i32
        %dma_start3A_16 = arith.constant 0 : i32
        %dma_start3A_17 = tpu.memref_slice %arg5[%arg0, %dma_start3A, %dma_start3A_16] : memref<2x10000x128xf32, #tpu.memory_space<hbm>> -> memref<1x16x128xf32, #tpu.memory_space<hbm>>
        %dma_start3A_18 = tpu.memref_squeeze %dma_start3A_17 : memref<1x16x128xf32, #tpu.memory_space<hbm>> -> memref<16x128xf32, #tpu.memory_space<hbm>>
        %dma_start3A_19 = arith.constant 9984 : i32
        %dma_start3A_20 = arith.constant 0 : i32
        %dma_start3A_21 = tpu.memref_slice %arg9[%dma_start3A_19, %dma_start3A_20] : memref<10000x128xf32, #tpu.memory_space<vmem_shared>> -> memref<16x128xf32, #tpu.memory_space<vmem_shared>>
        tpu.enqueue_dma source(%dma_start3A_21 : memref<16x128xf32, #tpu.memory_space<vmem_shared>>) target(%dma_start3A_18 : memref<16x128xf32, #tpu.memory_space<hbm>>) target_semaphore(%run_scoped3A : memref<!tpu.dma_semaphore, #tpu.memory_space<semaphore_mem>>)
        %dma_wait3A = arith.constant 9984 : i32
        %dma_wait3A_22 = arith.constant 0 : i32
        %dma_wait3A_23 = tpu.memref_slice %arg5[%arg0, %dma_wait3A, %dma_wait3A_22] : memref<2x10000x128xf32, #tpu.memory_space<hbm>> -> memref<1x16x128xf32, #tpu.memory_space<hbm>>
        %dma_wait3A_24 = tpu.memref_squeeze %dma_wait3A_23 : memref<1x16x128xf32, #tpu.memory_space<hbm>> -> memref<16x128xf32, #tpu.memory_space<hbm>>
        %dma_wait3A_25 = arith.constant 9984 : i32
        %dma_wait3A_26 = arith.constant 0 : i32
        %dma_wait3A_27 = tpu.memref_slice %arg9[%dma_wait3A_25, %dma_wait3A_26] : memref<10000x128xf32, #tpu.memory_space<vmem_shared>> -> memref<16x128xf32, #tpu.memory_space<vmem_shared>>
        tpu.wait_dma2 semaphore(%run_scoped3A : memref<!tpu.dma_semaphore, #tpu.memory_space<semaphore_mem>>) src(%dma_wait3A_27 : memref<16x128xf32, #tpu.memory_space<vmem_shared>>) dst(%dma_wait3A_24 : memref<16x128xf32, #tpu.memory_space<hbm>>)
        tpu.yield
      }) : () -> ()
    } else {
    }
    return
  }
}

#map = affine_map<(d0, d1) -> (0, 0)>
#map1 = affine_map<(d0, d1) -> (0, 0, 0, 0)>
#map2 = affine_map<(d0, d1) -> (0, 0, 0)>
module attributes {stable_mosaic.version = 14 : i64} {
  func.func @agg(%arg0: i32, %arg1: i32, %arg2: memref<10000x128xf32, #tpu.memory_space<hbm>>, %arg3: memref<32x5x25x80xi32, #tpu.memory_space<hbm>>, %arg4: memref<32x5x25x80xi32, #tpu.memory_space<hbm>>, %arg5: memref<2x10000x128xf32, #tpu.memory_space<hbm>>, %arg6: memref<25x80xi32, #tpu.memory_space<vmem>>, %arg7: memref<25x80xi32, #tpu.memory_space<vmem>>, %arg8: memref<4x80x128xf32, #tpu.memory_space<vmem>>, %arg9: memref<10000x128xf32, #tpu.memory_space<vmem_shared>>, %arg10: memref<4x!tpu.dma_semaphore, #tpu.memory_space<semaphore_mem>>) attributes {dimension_semantics = [#tpu.dimension_semantics<core_parallel>, #tpu.dimension_semantics<subcore_parallel>], iteration_bounds = array<i64: 2, 16>, scalar_prefetch = 0 : i64, scratch_operands = 5 : i64, tpu.core_type = #tpu.core_type<sc_vector_subcore>, window_params = [{transform_indices = #map}, {transform_indices = #map1}, {transform_indices = #map1}, {transform_indices = #map2}]} {
    %mul3A = arith.constant 2 : i32
    %mul3A_0 = arith.muli %arg1, %mul3A : i32
    %add3A = arith.addi %mul3A_0, %arg0 : i32
    %mul3A_1 = arith.constant 624 : i32
    %mul3A_2 = arith.muli %arg1, %mul3A_1 : i32
    "tpu.region"() ({
      %run_scoped3A = tpu.sem_alloc : memref<!tpu.dma_semaphore, #tpu.memory_space<semaphore_mem>>
      %dma_start3A = arith.constant 0 : i32
      %dma_start3A_16 = tpu.memref_slice %arg9[%mul3A_2, %dma_start3A] : memref<10000x128xf32, #tpu.memory_space<vmem_shared>> -> memref<624x128xf32, #tpu.memory_space<vmem_shared>>
      %dma_start3A_17 = arith.constant 0 : i32
      %dma_start3A_18 = tpu.memref_slice %arg2[%mul3A_2, %dma_start3A_17] : memref<10000x128xf32, #tpu.memory_space<hbm>> -> memref<624x128xf32, #tpu.memory_space<hbm>>
      tpu.enqueue_dma source(%dma_start3A_18 : memref<624x128xf32, #tpu.memory_space<hbm>>) target(%dma_start3A_16 : memref<624x128xf32, #tpu.memory_space<vmem_shared>>) target_semaphore(%run_scoped3A : memref<!tpu.dma_semaphore, #tpu.memory_space<semaphore_mem>>)
      %dma_wait3A = arith.constant 0 : i32
      %dma_wait3A_19 = tpu.memref_slice %arg9[%mul3A_2, %dma_wait3A] : memref<10000x128xf32, #tpu.memory_space<vmem_shared>> -> memref<624x128xf32, #tpu.memory_space<vmem_shared>>
      %dma_wait3A_20 = arith.constant 0 : i32
      %dma_wait3A_21 = tpu.memref_slice %arg2[%mul3A_2, %dma_wait3A_20] : memref<10000x128xf32, #tpu.memory_space<hbm>> -> memref<624x128xf32, #tpu.memory_space<hbm>>
      tpu.wait_dma2 semaphore(%run_scoped3A : memref<!tpu.dma_semaphore, #tpu.memory_space<semaphore_mem>>) src(%dma_wait3A_21 : memref<624x128xf32, #tpu.memory_space<hbm>>) dst(%dma_wait3A_19 : memref<624x128xf32, #tpu.memory_space<vmem_shared>>)
      tpu.yield
    }) : () -> ()
    %eq3A = arith.constant 0 : i32
    %eq3A_3 = arith.cmpi eq, %arg1, %eq3A : i32
    %convert_element_type3A = arith.extui %eq3A_3 : i1 to i32
    %cond3A = arith.constant 0 : i32
    %cond3A_4 = arith.cmpi ne, %convert_element_type3A, %cond3A : i32
    scf.if %cond3A_4 {
      "tpu.region"() ({
        %run_scoped3A = tpu.sem_alloc : memref<!tpu.dma_semaphore, #tpu.memory_space<semaphore_mem>>
        %dma_start3A = arith.constant 9984 : i32
        %dma_start3A_16 = arith.constant 0 : i32
        %dma_start3A_17 = tpu.memref_slice %arg9[%dma_start3A, %dma_start3A_16] : memref<10000x128xf32, #tpu.memory_space<vmem_shared>> -> memref<16x128xf32, #tpu.memory_space<vmem_shared>>
        %dma_start3A_18 = arith.constant 9984 : i32
        %dma_start3A_19 = arith.constant 0 : i32
        %dma_start3A_20 = tpu.memref_slice %arg2[%dma_start3A_18, %dma_start3A_19] : memref<10000x128xf32, #tpu.memory_space<hbm>> -> memref<16x128xf32, #tpu.memory_space<hbm>>
        tpu.enqueue_dma source(%dma_start3A_20 : memref<16x128xf32, #tpu.memory_space<hbm>>) target(%dma_start3A_17 : memref<16x128xf32, #tpu.memory_space<vmem_shared>>) target_semaphore(%run_scoped3A : memref<!tpu.dma_semaphore, #tpu.memory_space<semaphore_mem>>)
        %dma_wait3A = arith.constant 9984 : i32
        %dma_wait3A_21 = arith.constant 0 : i32
        %dma_wait3A_22 = tpu.memref_slice %arg9[%dma_wait3A, %dma_wait3A_21] : memref<10000x128xf32, #tpu.memory_space<vmem_shared>> -> memref<16x128xf32, #tpu.memory_space<vmem_shared>>
        %dma_wait3A_23 = arith.constant 9984 : i32
        %dma_wait3A_24 = arith.constant 0 : i32
        %dma_wait3A_25 = tpu.memref_slice %arg2[%dma_wait3A_23, %dma_wait3A_24] : memref<10000x128xf32, #tpu.memory_space<hbm>> -> memref<16x128xf32, #tpu.memory_space<hbm>>
        tpu.wait_dma2 semaphore(%run_scoped3A : memref<!tpu.dma_semaphore, #tpu.memory_space<semaphore_mem>>) src(%dma_wait3A_25 : memref<16x128xf32, #tpu.memory_space<hbm>>) dst(%dma_wait3A_22 : memref<16x128xf32, #tpu.memory_space<vmem_shared>>)
        tpu.yield
      }) : () -> ()
    } else {
    }
    %barrier3A = arith.constant 0 : index
    tpu.barrier barrier_id(%barrier3A)
    %scan3A = arith.constant 0 : i32
    %scan3A_5 = arith.constant 0 : i32
    %scan3A_6 = arith.constant 5 : i32
    %scan3A_7 = arith.addi %scan3A_5, %scan3A_6 : i32
    %scan3A_8 = arith.constant 1 : i32
    scf.for %scan3A_16 = %scan3A_5 to %scan3A_7 step %scan3A_8  : i32 {
      "tpu.region"() ({
        %run_scoped3A = tpu.sem_alloc : memref<!tpu.dma_semaphore, #tpu.memory_space<semaphore_mem>>
        %dma_start3A_82 = arith.constant 0 : i32
        %dma_start3A_83 = arith.constant 0 : i32
        %dma_start3A_84 = tpu.memref_slice %arg3[%add3A, %scan3A_16, %dma_start3A_82, %dma_start3A_83] : memref<32x5x25x80xi32, #tpu.memory_space<hbm>> -> memref<1x1x25x80xi32, #tpu.memory_space<hbm>>
        %dma_start3A_85 = tpu.memref_squeeze %dma_start3A_84 : memref<1x1x25x80xi32, #tpu.memory_space<hbm>> -> memref<25x80xi32, #tpu.memory_space<hbm>>
        %dma_start3A_86 = arith.constant 0 : i32
        %dma_start3A_87 = arith.constant 0 : i32
        %dma_start3A_88 = tpu.memref_slice %arg3[%add3A, %scan3A_16, %dma_start3A_86, %dma_start3A_87] : memref<32x5x25x80xi32, #tpu.memory_space<hbm>> -> memref<1x1x25x80xi32, #tpu.memory_space<hbm>>
        %dma_start3A_89 = tpu.memref_squeeze %dma_start3A_88 : memref<1x1x25x80xi32, #tpu.memory_space<hbm>> -> memref<25x80xi32, #tpu.memory_space<hbm>>
        tpu.enqueue_dma source(%dma_start3A_89 : memref<25x80xi32, #tpu.memory_space<hbm>>) target(%arg6 : memref<25x80xi32, #tpu.memory_space<vmem>>) target_semaphore(%run_scoped3A : memref<!tpu.dma_semaphore, #tpu.memory_space<semaphore_mem>>)
        %dma_wait3A = arith.constant 0 : i32
        %dma_wait3A_90 = arith.constant 0 : i32
        %dma_wait3A_91 = tpu.memref_slice %arg3[%add3A, %scan3A_16, %dma_wait3A, %dma_wait3A_90] : memref<32x5x25x80xi32, #tpu.memory_space<hbm>> -> memref<1x1x25x80xi32, #tpu.memory_space<hbm>>
        %dma_wait3A_92 = tpu.memref_squeeze %dma_wait3A_91 : memref<1x1x25x80xi32, #tpu.memory_space<hbm>> -> memref<25x80xi32, #tpu.memory_space<hbm>>
        %dma_wait3A_93 = arith.constant 0 : i32
        %dma_wait3A_94 = arith.constant 0 : i32
        %dma_wait3A_95 = tpu.memref_slice %arg3[%add3A, %scan3A_16, %dma_wait3A_93, %dma_wait3A_94] : memref<32x5x25x80xi32, #tpu.memory_space<hbm>> -> memref<1x1x25x80xi32, #tpu.memory_space<hbm>>
        %dma_wait3A_96 = tpu.memref_squeeze %dma_wait3A_95 : memref<1x1x25x80xi32, #tpu.memory_space<hbm>> -> memref<25x80xi32, #tpu.memory_space<hbm>>
        tpu.wait_dma2 semaphore(%run_scoped3A : memref<!tpu.dma_semaphore, #tpu.memory_space<semaphore_mem>>) src(%dma_wait3A_96 : memref<25x80xi32, #tpu.memory_space<hbm>>) dst(%arg6 : memref<25x80xi32, #tpu.memory_space<vmem>>)
        tpu.yield
      }) : () -> ()
      "tpu.region"() ({
        %run_scoped3A = tpu.sem_alloc : memref<!tpu.dma_semaphore, #tpu.memory_space<semaphore_mem>>
        %dma_start3A_82 = arith.constant 0 : i32
        %dma_start3A_83 = arith.constant 0 : i32
        %dma_start3A_84 = tpu.memref_slice %arg4[%add3A, %scan3A_16, %dma_start3A_82, %dma_start3A_83] : memref<32x5x25x80xi32, #tpu.memory_space<hbm>> -> memref<1x1x25x80xi32, #tpu.memory_space<hbm>>
        %dma_start3A_85 = tpu.memref_squeeze %dma_start3A_84 : memref<1x1x25x80xi32, #tpu.memory_space<hbm>> -> memref<25x80xi32, #tpu.memory_space<hbm>>
        %dma_start3A_86 = arith.constant 0 : i32
        %dma_start3A_87 = arith.constant 0 : i32
        %dma_start3A_88 = tpu.memref_slice %arg4[%add3A, %scan3A_16, %dma_start3A_86, %dma_start3A_87] : memref<32x5x25x80xi32, #tpu.memory_space<hbm>> -> memref<1x1x25x80xi32, #tpu.memory_space<hbm>>
        %dma_start3A_89 = tpu.memref_squeeze %dma_start3A_88 : memref<1x1x25x80xi32, #tpu.memory_space<hbm>> -> memref<25x80xi32, #tpu.memory_space<hbm>>
        tpu.enqueue_dma source(%dma_start3A_89 : memref<25x80xi32, #tpu.memory_space<hbm>>) target(%arg7 : memref<25x80xi32, #tpu.memory_space<vmem>>) target_semaphore(%run_scoped3A : memref<!tpu.dma_semaphore, #tpu.memory_space<semaphore_mem>>)
        %dma_wait3A = arith.constant 0 : i32
        %dma_wait3A_90 = arith.constant 0 : i32
        %dma_wait3A_91 = tpu.memref_slice %arg4[%add3A, %scan3A_16, %dma_wait3A, %dma_wait3A_90] : memref<32x5x25x80xi32, #tpu.memory_space<hbm>> -> memref<1x1x25x80xi32, #tpu.memory_space<hbm>>
        %dma_wait3A_92 = tpu.memref_squeeze %dma_wait3A_91 : memref<1x1x25x80xi32, #tpu.memory_space<hbm>> -> memref<25x80xi32, #tpu.memory_space<hbm>>
        %dma_wait3A_93 = arith.constant 0 : i32
        %dma_wait3A_94 = arith.constant 0 : i32
        %dma_wait3A_95 = tpu.memref_slice %arg4[%add3A, %scan3A_16, %dma_wait3A_93, %dma_wait3A_94] : memref<32x5x25x80xi32, #tpu.memory_space<hbm>> -> memref<1x1x25x80xi32, #tpu.memory_space<hbm>>
        %dma_wait3A_96 = tpu.memref_squeeze %dma_wait3A_95 : memref<1x1x25x80xi32, #tpu.memory_space<hbm>> -> memref<25x80xi32, #tpu.memory_space<hbm>>
        tpu.wait_dma2 semaphore(%run_scoped3A : memref<!tpu.dma_semaphore, #tpu.memory_space<semaphore_mem>>) src(%dma_wait3A_96 : memref<25x80xi32, #tpu.memory_space<hbm>>) dst(%arg7 : memref<25x80xi32, #tpu.memory_space<vmem>>)
        tpu.yield
      }) : () -> ()
      %dma_start3A = arith.constant 0 : i32
      %dma_start3A_17 = arith.constant 0 : i32
      %dma_start3A_18 = arith.constant 0 : i32
      %dma_start3A_19 = arith.constant 0 : i32
      %dma_start3A_20 = arith.constant 0 : i32
      %dma_start3A_21 = tpu.memref_slice %arg8[%dma_start3A_17, %dma_start3A_19, %dma_start3A_20] : memref<4x80x128xf32, #tpu.memory_space<vmem>> -> memref<1x80x128xf32, #tpu.memory_space<vmem>>
      %dma_start3A_22 = tpu.memref_squeeze %dma_start3A_21 : memref<1x80x128xf32, #tpu.memory_space<vmem>> -> memref<80x128xf32, #tpu.memory_space<vmem>>
      %dma_start3A_23 = arith.constant 0 : i32
      %dma_start3A_24 = tpu.memref_slice %arg6[%dma_start3A, %dma_start3A_23] : memref<25x80xi32, #tpu.memory_space<vmem>> -> memref<1x80xi32, #tpu.memory_space<vmem>>
      %dma_start3A_25 = tpu.memref_squeeze %dma_start3A_24 : memref<1x80xi32, #tpu.memory_space<vmem>> -> memref<80xi32, #tpu.memory_space<vmem>>
      %dma_start3A_26 = arith.constant 0 : i32
      %dma_start3A_27 = arith.constant 0 : i32
      %dma_start3A_28 = tpu.memref_slice %arg2[%dma_start3A_26, %dma_start3A_27] : memref<10000x128xf32, #tpu.memory_space<hbm>> -> memref<10000x128xf32, #tpu.memory_space<hbm>>
      %dma_start3A_29 = tpu.memref_slice %arg10[%dma_start3A_18] : memref<4x!tpu.dma_semaphore, #tpu.memory_space<semaphore_mem>> -> memref<1x!tpu.dma_semaphore, #tpu.memory_space<semaphore_mem>>
      %dma_start3A_30 = tpu.memref_squeeze %dma_start3A_29 : memref<1x!tpu.dma_semaphore, #tpu.memory_space<semaphore_mem>> -> memref<!tpu.dma_semaphore, #tpu.memory_space<semaphore_mem>>
      tpu.enqueue_indirect_dma source(%dma_start3A_28 : memref<10000x128xf32, #tpu.memory_space<hbm>>) target(%dma_start3A_22 : memref<80x128xf32, #tpu.memory_space<vmem>>) offsets(%dma_start3A_25 : memref<80xi32, #tpu.memory_space<vmem>>) semaphore(%dma_start3A_30 : memref<!tpu.dma_semaphore, #tpu.memory_space<semaphore_mem>>)
      %dma_start3A_31 = arith.constant 1 : i32
      %dma_start3A_32 = arith.constant 1 : i32
      %dma_start3A_33 = arith.constant 1 : i32
      %dma_start3A_34 = arith.constant 0 : i32
      %dma_start3A_35 = arith.constant 0 : i32
      %dma_start3A_36 = tpu.memref_slice %arg8[%dma_start3A_32, %dma_start3A_34, %dma_start3A_35] : memref<4x80x128xf32, #tpu.memory_space<vmem>> -> memref<1x80x128xf32, #tpu.memory_space<vmem>>
      %dma_start3A_37 = tpu.memref_squeeze %dma_start3A_36 : memref<1x80x128xf32, #tpu.memory_space<vmem>> -> memref<80x128xf32, #tpu.memory_space<vmem>>
      %dma_start3A_38 = arith.constant 0 : i32
      %dma_start3A_39 = tpu.memref_slice %arg6[%dma_start3A_31, %dma_start3A_38] : memref<25x80xi32, #tpu.memory_space<vmem>> -> memref<1x80xi32, #tpu.memory_space<vmem>>
      %dma_start3A_40 = tpu.memref_squeeze %dma_start3A_39 : memref<1x80xi32, #tpu.memory_space<vmem>> -> memref<80xi32, #tpu.memory_space<vmem>>
      %dma_start3A_41 = arith.constant 0 : i32
      %dma_start3A_42 = arith.constant 0 : i32
      %dma_start3A_43 = tpu.memref_slice %arg2[%dma_start3A_41, %dma_start3A_42] : memref<10000x128xf32, #tpu.memory_space<hbm>> -> memref<10000x128xf32, #tpu.memory_space<hbm>>
      %dma_start3A_44 = tpu.memref_slice %arg10[%dma_start3A_33] : memref<4x!tpu.dma_semaphore, #tpu.memory_space<semaphore_mem>> -> memref<1x!tpu.dma_semaphore, #tpu.memory_space<semaphore_mem>>
      %dma_start3A_45 = tpu.memref_squeeze %dma_start3A_44 : memref<1x!tpu.dma_semaphore, #tpu.memory_space<semaphore_mem>> -> memref<!tpu.dma_semaphore, #tpu.memory_space<semaphore_mem>>
      tpu.enqueue_indirect_dma source(%dma_start3A_43 : memref<10000x128xf32, #tpu.memory_space<hbm>>) target(%dma_start3A_37 : memref<80x128xf32, #tpu.memory_space<vmem>>) offsets(%dma_start3A_40 : memref<80xi32, #tpu.memory_space<vmem>>) semaphore(%dma_start3A_45 : memref<!tpu.dma_semaphore, #tpu.memory_space<semaphore_mem>>)
      %dma_start3A_46 = arith.constant 2 : i32
      %dma_start3A_47 = arith.constant 2 : i32
      %dma_start3A_48 = arith.constant 2 : i32
      %dma_start3A_49 = arith.constant 0 : i32
      %dma_start3A_50 = arith.constant 0 : i32
      %dma_start3A_51 = tpu.memref_slice %arg8[%dma_start3A_47, %dma_start3A_49, %dma_start3A_50] : memref<4x80x128xf32, #tpu.memory_space<vmem>> -> memref<1x80x128xf32, #tpu.memory_space<vmem>>
      %dma_start3A_52 = tpu.memref_squeeze %dma_start3A_51 : memref<1x80x128xf32, #tpu.memory_space<vmem>> -> memref<80x128xf32, #tpu.memory_space<vmem>>
      %dma_start3A_53 = arith.constant 0 : i32
      %dma_start3A_54 = tpu.memref_slice %arg6[%dma_start3A_46, %dma_start3A_53] : memref<25x80xi32, #tpu.memory_space<vmem>> -> memref<1x80xi32, #tpu.memory_space<vmem>>
      %dma_start3A_55 = tpu.memref_squeeze %dma_start3A_54 : memref<1x80xi32, #tpu.memory_space<vmem>> -> memref<80xi32, #tpu.memory_space<vmem>>
      %dma_start3A_56 = arith.constant 0 : i32
      %dma_start3A_57 = arith.constant 0 : i32
      %dma_start3A_58 = tpu.memref_slice %arg2[%dma_start3A_56, %dma_start3A_57] : memref<10000x128xf32, #tpu.memory_space<hbm>> -> memref<10000x128xf32, #tpu.memory_space<hbm>>
      %dma_start3A_59 = tpu.memref_slice %arg10[%dma_start3A_48] : memref<4x!tpu.dma_semaphore, #tpu.memory_space<semaphore_mem>> -> memref<1x!tpu.dma_semaphore, #tpu.memory_space<semaphore_mem>>
      %dma_start3A_60 = tpu.memref_squeeze %dma_start3A_59 : memref<1x!tpu.dma_semaphore, #tpu.memory_space<semaphore_mem>> -> memref<!tpu.dma_semaphore, #tpu.memory_space<semaphore_mem>>
      tpu.enqueue_indirect_dma source(%dma_start3A_58 : memref<10000x128xf32, #tpu.memory_space<hbm>>) target(%dma_start3A_52 : memref<80x128xf32, #tpu.memory_space<vmem>>) offsets(%dma_start3A_55 : memref<80xi32, #tpu.memory_space<vmem>>) semaphore(%dma_start3A_60 : memref<!tpu.dma_semaphore, #tpu.memory_space<semaphore_mem>>)
      %dma_start3A_61 = arith.constant 3 : i32
      %dma_start3A_62 = arith.constant 3 : i32
      %dma_start3A_63 = arith.constant 3 : i32
      %dma_start3A_64 = arith.constant 0 : i32
      %dma_start3A_65 = arith.constant 0 : i32
      %dma_start3A_66 = tpu.memref_slice %arg8[%dma_start3A_62, %dma_start3A_64, %dma_start3A_65] : memref<4x80x128xf32, #tpu.memory_space<vmem>> -> memref<1x80x128xf32, #tpu.memory_space<vmem>>
      %dma_start3A_67 = tpu.memref_squeeze %dma_start3A_66 : memref<1x80x128xf32, #tpu.memory_space<vmem>> -> memref<80x128xf32, #tpu.memory_space<vmem>>
      %dma_start3A_68 = arith.constant 0 : i32
      %dma_start3A_69 = tpu.memref_slice %arg6[%dma_start3A_61, %dma_start3A_68] : memref<25x80xi32, #tpu.memory_space<vmem>> -> memref<1x80xi32, #tpu.memory_space<vmem>>
      %dma_start3A_70 = tpu.memref_squeeze %dma_start3A_69 : memref<1x80xi32, #tpu.memory_space<vmem>> -> memref<80xi32, #tpu.memory_space<vmem>>
      %dma_start3A_71 = arith.constant 0 : i32
      %dma_start3A_72 = arith.constant 0 : i32
      %dma_start3A_73 = tpu.memref_slice %arg2[%dma_start3A_71, %dma_start3A_72] : memref<10000x128xf32, #tpu.memory_space<hbm>> -> memref<10000x128xf32, #tpu.memory_space<hbm>>
      %dma_start3A_74 = tpu.memref_slice %arg10[%dma_start3A_63] : memref<4x!tpu.dma_semaphore, #tpu.memory_space<semaphore_mem>> -> memref<1x!tpu.dma_semaphore, #tpu.memory_space<semaphore_mem>>
      %dma_start3A_75 = tpu.memref_squeeze %dma_start3A_74 : memref<1x!tpu.dma_semaphore, #tpu.memory_space<semaphore_mem>> -> memref<!tpu.dma_semaphore, #tpu.memory_space<semaphore_mem>>
      tpu.enqueue_indirect_dma source(%dma_start3A_73 : memref<10000x128xf32, #tpu.memory_space<hbm>>) target(%dma_start3A_67 : memref<80x128xf32, #tpu.memory_space<vmem>>) offsets(%dma_start3A_70 : memref<80xi32, #tpu.memory_space<vmem>>) semaphore(%dma_start3A_75 : memref<!tpu.dma_semaphore, #tpu.memory_space<semaphore_mem>>)
      %scan3A_76 = arith.constant 0 : i32
      %scan3A_77 = arith.constant 0 : i32
      %scan3A_78 = arith.constant 25 : i32
      %scan3A_79 = arith.addi %scan3A_77, %scan3A_78 : i32
      %scan3A_80 = arith.constant 1 : i32
      scf.for %scan3A_82 = %scan3A_77 to %scan3A_79 step %scan3A_80  : i32 {
        %and3A = arith.constant 3 : i32
        %and3A_83 = arith.andi %scan3A_82, %and3A : i32
        %dma_wait3A = arith.constant 0 : i32
        %dma_wait3A_84 = arith.constant 0 : i32
        %dma_wait3A_85 = tpu.memref_slice %arg8[%and3A_83, %dma_wait3A, %dma_wait3A_84] : memref<4x80x128xf32, #tpu.memory_space<vmem>> -> memref<1x80x128xf32, #tpu.memory_space<vmem>>
        %dma_wait3A_86 = tpu.memref_squeeze %dma_wait3A_85 : memref<1x80x128xf32, #tpu.memory_space<vmem>> -> memref<80x128xf32, #tpu.memory_space<vmem>>
        %dma_wait3A_87 = arith.constant 0 : i32
        %dma_wait3A_88 = tpu.memref_slice %arg6[%scan3A_82, %dma_wait3A_87] : memref<25x80xi32, #tpu.memory_space<vmem>> -> memref<1x80xi32, #tpu.memory_space<vmem>>
        %dma_wait3A_89 = tpu.memref_squeeze %dma_wait3A_88 : memref<1x80xi32, #tpu.memory_space<vmem>> -> memref<80xi32, #tpu.memory_space<vmem>>
        %dma_wait3A_90 = arith.constant 0 : i32
        %dma_wait3A_91 = arith.constant 0 : i32
        %dma_wait3A_92 = tpu.memref_slice %arg2[%dma_wait3A_90, %dma_wait3A_91] : memref<10000x128xf32, #tpu.memory_space<hbm>> -> memref<10000x128xf32, #tpu.memory_space<hbm>>
        %dma_wait3A_93 = tpu.memref_slice %arg10[%and3A_83] : memref<4x!tpu.dma_semaphore, #tpu.memory_space<semaphore_mem>> -> memref<1x!tpu.dma_semaphore, #tpu.memory_space<semaphore_mem>>
        %dma_wait3A_94 = tpu.memref_squeeze %dma_wait3A_93 : memref<1x!tpu.dma_semaphore, #tpu.memory_space<semaphore_mem>> -> memref<!tpu.dma_semaphore, #tpu.memory_space<semaphore_mem>>
        tpu.wait_indirect_dma semaphore(%dma_wait3A_94 : memref<!tpu.dma_semaphore, #tpu.memory_space<semaphore_mem>>) src(%dma_wait3A_92 : memref<10000x128xf32, #tpu.memory_space<hbm>>) dst(%dma_wait3A_86 : memref<80x128xf32, #tpu.memory_space<vmem>>)
        "tpu.region"() ({
          %run_scoped3A = tpu.sem_alloc : memref<!tpu.dma_semaphore, #tpu.memory_space<semaphore_mem>>
          %dma_start3A_101 = arith.constant 0 : i32
          %dma_start3A_102 = arith.constant 0 : i32
          %dma_start3A_103 = tpu.memref_slice %arg8[%and3A_83, %dma_start3A_101, %dma_start3A_102] : memref<4x80x128xf32, #tpu.memory_space<vmem>> -> memref<1x80x128xf32, #tpu.memory_space<vmem>>
          %dma_start3A_104 = tpu.memref_squeeze %dma_start3A_103 : memref<1x80x128xf32, #tpu.memory_space<vmem>> -> memref<80x128xf32, #tpu.memory_space<vmem>>
          %dma_start3A_105 = arith.constant 0 : i32
          %dma_start3A_106 = tpu.memref_slice %arg7[%scan3A_82, %dma_start3A_105] : memref<25x80xi32, #tpu.memory_space<vmem>> -> memref<1x80xi32, #tpu.memory_space<vmem>>
          %dma_start3A_107 = tpu.memref_squeeze %dma_start3A_106 : memref<1x80xi32, #tpu.memory_space<vmem>> -> memref<80xi32, #tpu.memory_space<vmem>>
          %dma_start3A_108 = arith.constant 0 : i32
          %dma_start3A_109 = arith.constant 0 : i32
          %dma_start3A_110 = tpu.memref_slice %arg9[%dma_start3A_108, %dma_start3A_109] : memref<10000x128xf32, #tpu.memory_space<vmem_shared>> -> memref<10000x128xf32, #tpu.memory_space<vmem_shared>>
          tpu.enqueue_indirect_dma source(%dma_start3A_104 : memref<80x128xf32, #tpu.memory_space<vmem>>) target(%dma_start3A_110 : memref<10000x128xf32, #tpu.memory_space<vmem_shared>>) offsets(%dma_start3A_107 : memref<80xi32, #tpu.memory_space<vmem>>) semaphore(%run_scoped3A : memref<!tpu.dma_semaphore, #tpu.memory_space<semaphore_mem>>) {add = true}
          %dma_wait3A_111 = arith.constant 0 : i32
          %dma_wait3A_112 = arith.constant 0 : i32
          %dma_wait3A_113 = tpu.memref_slice %arg8[%and3A_83, %dma_wait3A_111, %dma_wait3A_112] : memref<4x80x128xf32, #tpu.memory_space<vmem>> -> memref<1x80x128xf32, #tpu.memory_space<vmem>>
          %dma_wait3A_114 = tpu.memref_squeeze %dma_wait3A_113 : memref<1x80x128xf32, #tpu.memory_space<vmem>> -> memref<80x128xf32, #tpu.memory_space<vmem>>
          %dma_wait3A_115 = arith.constant 0 : i32
          %dma_wait3A_116 = tpu.memref_slice %arg7[%scan3A_82, %dma_wait3A_115] : memref<25x80xi32, #tpu.memory_space<vmem>> -> memref<1x80xi32, #tpu.memory_space<vmem>>
          %dma_wait3A_117 = tpu.memref_squeeze %dma_wait3A_116 : memref<1x80xi32, #tpu.memory_space<vmem>> -> memref<80xi32, #tpu.memory_space<vmem>>
          %dma_wait3A_118 = arith.constant 0 : i32
          %dma_wait3A_119 = arith.constant 0 : i32
          %dma_wait3A_120 = tpu.memref_slice %arg9[%dma_wait3A_118, %dma_wait3A_119] : memref<10000x128xf32, #tpu.memory_space<vmem_shared>> -> memref<10000x128xf32, #tpu.memory_space<vmem_shared>>
          tpu.wait_indirect_dma semaphore(%run_scoped3A : memref<!tpu.dma_semaphore, #tpu.memory_space<semaphore_mem>>) src(%dma_wait3A_114 : memref<80x128xf32, #tpu.memory_space<vmem>>) dst(%dma_wait3A_120 : memref<10000x128xf32, #tpu.memory_space<vmem_shared>>)
          tpu.yield
        }) : () -> ()
        %add3A_95 = arith.constant 4 : i32
        %add3A_96 = arith.addi %scan3A_82, %add3A_95 : i32
        %lt3A = arith.constant 25 : i32
        %lt3A_97 = arith.cmpi slt, %add3A_96, %lt3A : i32
        %convert_element_type3A_98 = arith.extui %lt3A_97 : i1 to i32
        %cond3A_99 = arith.constant 0 : i32
        %cond3A_100 = arith.cmpi ne, %convert_element_type3A_98, %cond3A_99 : i32
        scf.if %cond3A_100 {
          %dma_start3A_101 = arith.constant 0 : i32
          %dma_start3A_102 = arith.constant 0 : i32
          %dma_start3A_103 = tpu.memref_slice %arg8[%and3A_83, %dma_start3A_101, %dma_start3A_102] : memref<4x80x128xf32, #tpu.memory_space<vmem>> -> memref<1x80x128xf32, #tpu.memory_space<vmem>>
          %dma_start3A_104 = tpu.memref_squeeze %dma_start3A_103 : memref<1x80x128xf32, #tpu.memory_space<vmem>> -> memref<80x128xf32, #tpu.memory_space<vmem>>
          %dma_start3A_105 = arith.constant 0 : i32
          %dma_start3A_106 = tpu.memref_slice %arg6[%add3A_96, %dma_start3A_105] : memref<25x80xi32, #tpu.memory_space<vmem>> -> memref<1x80xi32, #tpu.memory_space<vmem>>
          %dma_start3A_107 = tpu.memref_squeeze %dma_start3A_106 : memref<1x80xi32, #tpu.memory_space<vmem>> -> memref<80xi32, #tpu.memory_space<vmem>>
          %dma_start3A_108 = arith.constant 0 : i32
          %dma_start3A_109 = arith.constant 0 : i32
          %dma_start3A_110 = tpu.memref_slice %arg2[%dma_start3A_108, %dma_start3A_109] : memref<10000x128xf32, #tpu.memory_space<hbm>> -> memref<10000x128xf32, #tpu.memory_space<hbm>>
          %dma_start3A_111 = tpu.memref_slice %arg10[%and3A_83] : memref<4x!tpu.dma_semaphore, #tpu.memory_space<semaphore_mem>> -> memref<1x!tpu.dma_semaphore, #tpu.memory_space<semaphore_mem>>
          %dma_start3A_112 = tpu.memref_squeeze %dma_start3A_111 : memref<1x!tpu.dma_semaphore, #tpu.memory_space<semaphore_mem>> -> memref<!tpu.dma_semaphore, #tpu.memory_space<semaphore_mem>>
          tpu.enqueue_indirect_dma source(%dma_start3A_110 : memref<10000x128xf32, #tpu.memory_space<hbm>>) target(%dma_start3A_104 : memref<80x128xf32, #tpu.memory_space<vmem>>) offsets(%dma_start3A_107 : memref<80xi32, #tpu.memory_space<vmem>>) semaphore(%dma_start3A_112 : memref<!tpu.dma_semaphore, #tpu.memory_space<semaphore_mem>>)
        } else {
        }
      }
      %scan3A_81 = arith.constant 25 : i32
    }
    %scan3A_9 = arith.constant 5 : i32
    %barrier3A_10 = arith.constant 0 : index
    tpu.barrier barrier_id(%barrier3A_10)
    "tpu.region"() ({
      %run_scoped3A = tpu.sem_alloc : memref<!tpu.dma_semaphore, #tpu.memory_space<semaphore_mem>>
      %dma_start3A = arith.constant 0 : i32
      %dma_start3A_16 = tpu.memref_slice %arg5[%arg0, %mul3A_2, %dma_start3A] : memref<2x10000x128xf32, #tpu.memory_space<hbm>> -> memref<1x624x128xf32, #tpu.memory_space<hbm>>
      %dma_start3A_17 = tpu.memref_squeeze %dma_start3A_16 : memref<1x624x128xf32, #tpu.memory_space<hbm>> -> memref<624x128xf32, #tpu.memory_space<hbm>>
      %dma_start3A_18 = arith.constant 0 : i32
      %dma_start3A_19 = tpu.memref_slice %arg9[%mul3A_2, %dma_start3A_18] : memref<10000x128xf32, #tpu.memory_space<vmem_shared>> -> memref<624x128xf32, #tpu.memory_space<vmem_shared>>
      tpu.enqueue_dma source(%dma_start3A_19 : memref<624x128xf32, #tpu.memory_space<vmem_shared>>) target(%dma_start3A_17 : memref<624x128xf32, #tpu.memory_space<hbm>>) target_semaphore(%run_scoped3A : memref<!tpu.dma_semaphore, #tpu.memory_space<semaphore_mem>>)
      %dma_wait3A = arith.constant 0 : i32
      %dma_wait3A_20 = tpu.memref_slice %arg5[%arg0, %mul3A_2, %dma_wait3A] : memref<2x10000x128xf32, #tpu.memory_space<hbm>> -> memref<1x624x128xf32, #tpu.memory_space<hbm>>
      %dma_wait3A_21 = tpu.memref_squeeze %dma_wait3A_20 : memref<1x624x128xf32, #tpu.memory_space<hbm>> -> memref<624x128xf32, #tpu.memory_space<hbm>>
      %dma_wait3A_22 = arith.constant 0 : i32
      %dma_wait3A_23 = tpu.memref_slice %arg9[%mul3A_2, %dma_wait3A_22] : memref<10000x128xf32, #tpu.memory_space<vmem_shared>> -> memref<624x128xf32, #tpu.memory_space<vmem_shared>>
      tpu.wait_dma2 semaphore(%run_scoped3A : memref<!tpu.dma_semaphore, #tpu.memory_space<semaphore_mem>>) src(%dma_wait3A_23 : memref<624x128xf32, #tpu.memory_space<vmem_shared>>) dst(%dma_wait3A_21 : memref<624x128xf32, #tpu.memory_space<hbm>>)
      tpu.yield
    }) : () -> ()
    %eq3A_11 = arith.constant 0 : i32
    %eq3A_12 = arith.cmpi eq, %arg1, %eq3A_11 : i32
    %convert_element_type3A_13 = arith.extui %eq3A_12 : i1 to i32
    %cond3A_14 = arith.constant 0 : i32
    %cond3A_15 = arith.cmpi ne, %convert_element_type3A_13, %cond3A_14 : i32
    scf.if %cond3A_15 {
      "tpu.region"() ({
        %run_scoped3A = tpu.sem_alloc : memref<!tpu.dma_semaphore, #tpu.memory_space<semaphore_mem>>
        %dma_start3A = arith.constant 9984 : i32
        %dma_start3A_16 = arith.constant 0 : i32
        %dma_start3A_17 = tpu.memref_slice %arg5[%arg0, %dma_start3A, %dma_start3A_16] : memref<2x10000x128xf32, #tpu.memory_space<hbm>> -> memref<1x16x128xf32, #tpu.memory_space<hbm>>
        %dma_start3A_18 = tpu.memref_squeeze %dma_start3A_17 : memref<1x16x128xf32, #tpu.memory_space<hbm>> -> memref<16x128xf32, #tpu.memory_space<hbm>>
        %dma_start3A_19 = arith.constant 9984 : i32
        %dma_start3A_20 = arith.constant 0 : i32
        %dma_start3A_21 = tpu.memref_slice %arg9[%dma_start3A_19, %dma_start3A_20] : memref<10000x128xf32, #tpu.memory_space<vmem_shared>> -> memref<16x128xf32, #tpu.memory_space<vmem_shared>>
        tpu.enqueue_dma source(%dma_start3A_21 : memref<16x128xf32, #tpu.memory_space<vmem_shared>>) target(%dma_start3A_18 : memref<16x128xf32, #tpu.memory_space<hbm>>) target_semaphore(%run_scoped3A : memref<!tpu.dma_semaphore, #tpu.memory_space<semaphore_mem>>)
        %dma_wait3A = arith.constant 9984 : i32
        %dma_wait3A_22 = arith.constant 0 : i32
        %dma_wait3A_23 = tpu.memref_slice %arg5[%arg0, %dma_wait3A, %dma_wait3A_22] : memref<2x10000x128xf32, #tpu.memory_space<hbm>> -> memref<1x16x128xf32, #tpu.memory_space<hbm>>
        %dma_wait3A_24 = tpu.memref_squeeze %dma_wait3A_23 : memref<1x16x128xf32, #tpu.memory_space<hbm>> -> memref<16x128xf32, #tpu.memory_space<hbm>>
        %dma_wait3A_25 = arith.constant 9984 : i32
        %dma_wait3A_26 = arith.constant 0 : i32
        %dma_wait3A_27 = tpu.memref_slice %arg9[%dma_wait3A_25, %dma_wait3A_26] : memref<10000x128xf32, #tpu.memory_space<vmem_shared>> -> memref<16x128xf32, #tpu.memory_space<vmem_shared>>
        tpu.wait_dma2 semaphore(%run_scoped3A : memref<!tpu.dma_semaphore, #tpu.memory_space<semaphore_mem>>) src(%dma_wait3A_27 : memref<16x128xf32, #tpu.memory_space<vmem_shared>>) dst(%dma_wait3A_24 : memref<16x128xf32, #tpu.memory_space<hbm>>)
        tpu.yield
      }) : () -> ()
    } else {
    }
    return
  }
}

module attributes {stable_mosaic.version = 14 : i64} {
  func.func @_tc_layer0_body(%arg0: memref<10000x128xf32, #tpu.memory_space<vmem>>, %arg1: memref<2x10000x128xf32, #tpu.memory_space<vmem>>, %arg2: memref<128x128xf32, #tpu.memory_space<vmem>>, %arg3: memref<1x128xf32, #tpu.memory_space<vmem>>, %arg4: memref<1x128xf32, #tpu.memory_space<vmem>>, %arg5: memref<1x128xf32, #tpu.memory_space<vmem>>, %arg6: memref<128x128xf32, #tpu.memory_space<vmem>>, %arg7: memref<1x128xf32, #tpu.memory_space<vmem>>, %arg8: memref<1x128xf32, #tpu.memory_space<vmem>>, %arg9: memref<1x128xf32, #tpu.memory_space<vmem>>, %arg10: memref<10000x128xf32, #tpu.memory_space<vmem>>) attributes {dimension_semantics = [], scalar_prefetch = 0 : i64, scratch_operands = 0 : i64, tpu.core_type = #tpu.core_type<tc>} {
    %get3A = arith.constant 0 : index
    %get3A_0 = arith.constant 0 : index
    %get3A_1 = arith.constant 0 : index
    %get3A_2 = vector.load %arg1[%get3A, %get3A_0, %get3A_1] : memref<2x10000x128xf32, #tpu.memory_space<vmem>>, vector<1x10000x128xf32>
    %get3A_3 = vector.shape_cast %get3A_2 : vector<1x10000x128xf32> to vector<10000x128xf32>
    %get3A_4 = arith.constant 1 : index
    %get3A_5 = arith.constant 0 : index
    %get3A_6 = arith.constant 0 : index
    %get3A_7 = vector.load %arg1[%get3A_4, %get3A_5, %get3A_6] : memref<2x10000x128xf32, #tpu.memory_space<vmem>>, vector<1x10000x128xf32>
    %get3A_8 = vector.shape_cast %get3A_7 : vector<1x10000x128xf32> to vector<10000x128xf32>
    %add3A = arith.addf %get3A_3, %get3A_8 : vector<10000x128xf32>
    %get3A_9 = arith.constant 0 : index
    %get3A_10 = arith.constant 0 : index
    %get3A_11 = vector.load %arg0[%get3A_9, %get3A_10] : memref<10000x128xf32, #tpu.memory_space<vmem>>, vector<10000x128xf32>
    %sub3A = arith.subf %add3A, %get3A_11 : vector<10000x128xf32>
    %get3A_12 = arith.constant 0 : index
    %get3A_13 = arith.constant 0 : index
    %get3A_14 = vector.load %arg2[%get3A_12, %get3A_13] : memref<128x128xf32, #tpu.memory_space<vmem>>, vector<128x128xf32>
    %get3A_15 = arith.constant 0 : index
    %get3A_16 = arith.constant 0 : index
    %get3A_17 = vector.load %arg3[%get3A_15, %get3A_16] : memref<1x128xf32, #tpu.memory_space<vmem>>, vector<1x128xf32>
    %get3A_18 = arith.constant 0 : index
    %get3A_19 = arith.constant 0 : index
    %get3A_20 = vector.load %arg4[%get3A_18, %get3A_19] : memref<1x128xf32, #tpu.memory_space<vmem>>, vector<1x128xf32>
    %get3A_21 = arith.constant 0 : index
    %get3A_22 = arith.constant 0 : index
    %get3A_23 = vector.load %arg5[%get3A_21, %get3A_22] : memref<1x128xf32, #tpu.memory_space<vmem>>, vector<1x128xf32>
    %get3A_24 = arith.constant 0 : index
    %get3A_25 = arith.constant 0 : index
    %get3A_26 = vector.load %arg6[%get3A_24, %get3A_25] : memref<128x128xf32, #tpu.memory_space<vmem>>, vector<128x128xf32>
    %get3A_27 = arith.constant 0 : index
    %get3A_28 = arith.constant 0 : index
    %get3A_29 = vector.load %arg7[%get3A_27, %get3A_28] : memref<1x128xf32, #tpu.memory_space<vmem>>, vector<1x128xf32>
    %get3A_30 = arith.constant 0 : index
    %get3A_31 = arith.constant 0 : index
    %get3A_32 = vector.load %arg8[%get3A_30, %get3A_31] : memref<1x128xf32, #tpu.memory_space<vmem>>, vector<1x128xf32>
    %get3A_33 = arith.constant 0 : index
    %get3A_34 = arith.constant 0 : index
    %get3A_35 = vector.load %arg9[%get3A_33, %get3A_34] : memref<1x128xf32, #tpu.memory_space<vmem>>, vector<1x128xf32>
    %dot_general3A = arith.constant dense<0.000000e+00> : vector<10000x128xf32>
    %dot_general3A_36 = tpu.matmul %sub3A, %get3A_14, %dot_general3A {dimension_numbers = #tpu.dot_dimension_numbers<[1], [0], [0], [1], [0, 0, 1, 1], [], []>, transpose_lhs_hint = false} : vector<10000x128xf32>, vector<128x128xf32>, vector<10000x128xf32> -> vector<10000x128xf32>
    %add3A_37 = vector.broadcast %get3A_17 : vector<1x128xf32> to vector<10000x128xf32>
    %add3A_38 = arith.addf %dot_general3A_36, %add3A_37 : vector<10000x128xf32>
    %reduce_sum3A = arith.constant dense<0.000000e+00> : vector<128xf32>
    %reduce_sum3A_39 = vector.multi_reduction <add>, %add3A_38, %reduce_sum3A [0] : vector<10000x128xf32> to vector<128xf32>
    %broadcast_in_dim3A = vector.shape_cast %reduce_sum3A_39 : vector<128xf32> to vector<1x128xf32>
    %div3A = arith.constant 1.000000e+04 : f32
    %div3A_40 = vector.broadcast %div3A : f32 to vector<1x128xf32>
    %div3A_41 = arith.divf %broadcast_in_dim3A, %div3A_40 : vector<1x128xf32>
    %mul3A = arith.mulf %add3A_38, %add3A_38 : vector<10000x128xf32>
    %reduce_sum3A_42 = arith.constant dense<0.000000e+00> : vector<128xf32>
    %reduce_sum3A_43 = vector.multi_reduction <add>, %mul3A, %reduce_sum3A_42 [0] : vector<10000x128xf32> to vector<128xf32>
    %broadcast_in_dim3A_44 = vector.shape_cast %reduce_sum3A_43 : vector<128xf32> to vector<1x128xf32>
    %div3A_45 = arith.constant 1.000000e+04 : f32
    %div3A_46 = vector.broadcast %div3A_45 : f32 to vector<1x128xf32>
    %div3A_47 = arith.divf %broadcast_in_dim3A_44, %div3A_46 : vector<1x128xf32>
    %mul3A_48 = arith.mulf %div3A_41, %div3A_41 : vector<1x128xf32>
    %sub3A_49 = arith.subf %div3A_47, %mul3A_48 : vector<1x128xf32>
    %sub3A_50 = vector.broadcast %div3A_41 : vector<1x128xf32> to vector<10000x128xf32>
    %sub3A_51 = arith.subf %add3A_38, %sub3A_50 : vector<10000x128xf32>
    %add3A_52 = arith.constant 9.99999974E-6 : f32
    %add3A_53 = vector.broadcast %add3A_52 : f32 to vector<1x128xf32>
    %add3A_54 = arith.addf %sub3A_49, %add3A_53 : vector<1x128xf32>
    %rsqrt3A = math.rsqrt %add3A_54 : vector<1x128xf32>
    %mul3A_55 = vector.broadcast %rsqrt3A : vector<1x128xf32> to vector<10000x128xf32>
    %mul3A_56 = arith.mulf %sub3A_51, %mul3A_55 : vector<10000x128xf32>
    %mul3A_57 = vector.broadcast %get3A_20 : vector<1x128xf32> to vector<10000x128xf32>
    %mul3A_58 = arith.mulf %mul3A_56, %mul3A_57 : vector<10000x128xf32>
    %add3A_59 = vector.broadcast %get3A_23 : vector<1x128xf32> to vector<10000x128xf32>
    %add3A_60 = arith.addf %mul3A_58, %add3A_59 : vector<10000x128xf32>
    %max3A = arith.constant 0.000000e+00 : f32
    %max3A_61 = vector.broadcast %max3A : f32 to vector<10000x128xf32>
    %max3A_62 = arith.maximumf %add3A_60, %max3A_61 : vector<10000x128xf32>
    %dot_general3A_63 = arith.constant dense<0.000000e+00> : vector<10000x128xf32>
    %dot_general3A_64 = tpu.matmul %max3A_62, %get3A_26, %dot_general3A_63 {dimension_numbers = #tpu.dot_dimension_numbers<[1], [0], [0], [1], [0, 0, 1, 1], [], []>, transpose_lhs_hint = false} : vector<10000x128xf32>, vector<128x128xf32>, vector<10000x128xf32> -> vector<10000x128xf32>
    %add3A_65 = vector.broadcast %get3A_29 : vector<1x128xf32> to vector<10000x128xf32>
    %add3A_66 = arith.addf %dot_general3A_64, %add3A_65 : vector<10000x128xf32>
    %reduce_sum3A_67 = arith.constant dense<0.000000e+00> : vector<128xf32>
    %reduce_sum3A_68 = vector.multi_reduction <add>, %add3A_66, %reduce_sum3A_67 [0] : vector<10000x128xf32> to vector<128xf32>
    %broadcast_in_dim3A_69 = vector.shape_cast %reduce_sum3A_68 : vector<128xf32> to vector<1x128xf32>
    %div3A_70 = arith.constant 1.000000e+04 : f32
    %div3A_71 = vector.broadcast %div3A_70 : f32 to vector<1x128xf32>
    %div3A_72 = arith.divf %broadcast_in_dim3A_69, %div3A_71 : vector<1x128xf32>
    %mul3A_73 = arith.mulf %add3A_66, %add3A_66 : vector<10000x128xf32>
    %reduce_sum3A_74 = arith.constant dense<0.000000e+00> : vector<128xf32>
    %reduce_sum3A_75 = vector.multi_reduction <add>, %mul3A_73, %reduce_sum3A_74 [0] : vector<10000x128xf32> to vector<128xf32>
    %broadcast_in_dim3A_76 = vector.shape_cast %reduce_sum3A_75 : vector<128xf32> to vector<1x128xf32>
    %div3A_77 = arith.constant 1.000000e+04 : f32
    %div3A_78 = vector.broadcast %div3A_77 : f32 to vector<1x128xf32>
    %div3A_79 = arith.divf %broadcast_in_dim3A_76, %div3A_78 : vector<1x128xf32>
    %mul3A_80 = arith.mulf %div3A_72, %div3A_72 : vector<1x128xf32>
    %sub3A_81 = arith.subf %div3A_79, %mul3A_80 : vector<1x128xf32>
    %sub3A_82 = vector.broadcast %div3A_72 : vector<1x128xf32> to vector<10000x128xf32>
    %sub3A_83 = arith.subf %add3A_66, %sub3A_82 : vector<10000x128xf32>
    %add3A_84 = arith.constant 9.99999974E-6 : f32
    %add3A_85 = vector.broadcast %add3A_84 : f32 to vector<1x128xf32>
    %add3A_86 = arith.addf %sub3A_81, %add3A_85 : vector<1x128xf32>
    %rsqrt3A_87 = math.rsqrt %add3A_86 : vector<1x128xf32>
    %mul3A_88 = vector.broadcast %rsqrt3A_87 : vector<1x128xf32> to vector<10000x128xf32>
    %mul3A_89 = arith.mulf %sub3A_83, %mul3A_88 : vector<10000x128xf32>
    %mul3A_90 = vector.broadcast %get3A_32 : vector<1x128xf32> to vector<10000x128xf32>
    %mul3A_91 = arith.mulf %mul3A_89, %mul3A_90 : vector<10000x128xf32>
    %add3A_92 = vector.broadcast %get3A_35 : vector<1x128xf32> to vector<10000x128xf32>
    %add3A_93 = arith.addf %mul3A_91, %add3A_92 : vector<10000x128xf32>
    %max3A_94 = arith.constant 0.000000e+00 : f32
    %max3A_95 = vector.broadcast %max3A_94 : f32 to vector<10000x128xf32>
    %max3A_96 = arith.maximumf %add3A_93, %max3A_95 : vector<10000x128xf32>
    %swap3A = arith.constant 0 : index
    %swap3A_97 = arith.constant 0 : index
    %swap3A_98 = vector.load %arg10[%swap3A, %swap3A_97] : memref<10000x128xf32, #tpu.memory_space<vmem>>, vector<10000x128xf32>
    tpu.vector_store %arg10[%swap3A, %swap3A_97], %max3A_96 {strides = array<i32>} : memref<10000x128xf32, #tpu.memory_space<vmem>>, vector<10000x128xf32>,
    return
  }
}

module attributes {stable_mosaic.version = 14 : i64} {
  func.func @_tc_final_body(%arg0: memref<10000x128xf32, #tpu.memory_space<vmem>>, %arg1: memref<2x10000x128xf32, #tpu.memory_space<vmem>>, %arg2: memref<1x10000xi32, #tpu.memory_space<vmem>>, %arg3: memref<128x128xf32, #tpu.memory_space<vmem>>, %arg4: memref<1x128xf32, #tpu.memory_space<vmem>>, %arg5: memref<1x128xf32, #tpu.memory_space<vmem>>, %arg6: memref<1x128xf32, #tpu.memory_space<vmem>>, %arg7: memref<128x128xf32, #tpu.memory_space<vmem>>, %arg8: memref<1x128xf32, #tpu.memory_space<vmem>>, %arg9: memref<1x128xf32, #tpu.memory_space<vmem>>, %arg10: memref<1x128xf32, #tpu.memory_space<vmem>>, %arg11: memref<256x128xf32, #tpu.memory_space<vmem>>, %arg12: memref<1x128xf32, #tpu.memory_space<vmem>>, %arg13: memref<128x16xf32, #tpu.memory_space<vmem>>, %arg14: memref<1x16xf32, #tpu.memory_space<vmem>>, %arg15: memref<64x16xf32, #tpu.memory_space<vmem>>) attributes {dimension_semantics = [], scalar_prefetch = 0 : i64, scratch_operands = 0 : i64, tpu.core_type = #tpu.core_type<tc>} {
    %get3A = arith.constant 0 : index
    %get3A_0 = arith.constant 0 : index
    %get3A_1 = vector.load %arg0[%get3A, %get3A_0] : memref<10000x128xf32, #tpu.memory_space<vmem>>, vector<10000x128xf32>
    %get3A_2 = arith.constant 0 : index
    %get3A_3 = arith.constant 0 : index
    %get3A_4 = arith.constant 0 : index
    %get3A_5 = vector.load %arg1[%get3A_2, %get3A_3, %get3A_4] : memref<2x10000x128xf32, #tpu.memory_space<vmem>>, vector<1x10000x128xf32>
    %get3A_6 = vector.shape_cast %get3A_5 : vector<1x10000x128xf32> to vector<10000x128xf32>
    %get3A_7 = arith.constant 1 : index
    %get3A_8 = arith.constant 0 : index
    %get3A_9 = arith.constant 0 : index
    %get3A_10 = vector.load %arg1[%get3A_7, %get3A_8, %get3A_9] : memref<2x10000x128xf32, #tpu.memory_space<vmem>>, vector<1x10000x128xf32>
    %get3A_11 = vector.shape_cast %get3A_10 : vector<1x10000x128xf32> to vector<10000x128xf32>
    %add3A = arith.addf %get3A_6, %get3A_11 : vector<10000x128xf32>
    %sub3A = arith.subf %add3A, %get3A_1 : vector<10000x128xf32>
    %get3A_12 = arith.constant 0 : index
    %get3A_13 = arith.constant 0 : index
    %get3A_14 = vector.load %arg3[%get3A_12, %get3A_13] : memref<128x128xf32, #tpu.memory_space<vmem>>, vector<128x128xf32>
    %get3A_15 = arith.constant 0 : index
    %get3A_16 = arith.constant 0 : index
    %get3A_17 = vector.load %arg4[%get3A_15, %get3A_16] : memref<1x128xf32, #tpu.memory_space<vmem>>, vector<1x128xf32>
    %get3A_18 = arith.constant 0 : index
    %get3A_19 = arith.constant 0 : index
    %get3A_20 = vector.load %arg5[%get3A_18, %get3A_19] : memref<1x128xf32, #tpu.memory_space<vmem>>, vector<1x128xf32>
    %get3A_21 = arith.constant 0 : index
    %get3A_22 = arith.constant 0 : index
    %get3A_23 = vector.load %arg6[%get3A_21, %get3A_22] : memref<1x128xf32, #tpu.memory_space<vmem>>, vector<1x128xf32>
    %get3A_24 = arith.constant 0 : index
    %get3A_25 = arith.constant 0 : index
    %get3A_26 = vector.load %arg7[%get3A_24, %get3A_25] : memref<128x128xf32, #tpu.memory_space<vmem>>, vector<128x128xf32>
    %get3A_27 = arith.constant 0 : index
    %get3A_28 = arith.constant 0 : index
    %get3A_29 = vector.load %arg8[%get3A_27, %get3A_28] : memref<1x128xf32, #tpu.memory_space<vmem>>, vector<1x128xf32>
    %get3A_30 = arith.constant 0 : index
    %get3A_31 = arith.constant 0 : index
    %get3A_32 = vector.load %arg9[%get3A_30, %get3A_31] : memref<1x128xf32, #tpu.memory_space<vmem>>, vector<1x128xf32>
    %get3A_33 = arith.constant 0 : index
    %get3A_34 = arith.constant 0 : index
    %get3A_35 = vector.load %arg10[%get3A_33, %get3A_34] : memref<1x128xf32, #tpu.memory_space<vmem>>, vector<1x128xf32>
    %dot_general3A = arith.constant dense<0.000000e+00> : vector<10000x128xf32>
    %dot_general3A_36 = tpu.matmul %sub3A, %get3A_14, %dot_general3A {dimension_numbers = #tpu.dot_dimension_numbers<[1], [0], [0], [1], [0, 0, 1, 1], [], []>, transpose_lhs_hint = false} : vector<10000x128xf32>, vector<128x128xf32>, vector<10000x128xf32> -> vector<10000x128xf32>
    %add3A_37 = vector.broadcast %get3A_17 : vector<1x128xf32> to vector<10000x128xf32>
    %add3A_38 = arith.addf %dot_general3A_36, %add3A_37 : vector<10000x128xf32>
    %reduce_sum3A = arith.constant dense<0.000000e+00> : vector<128xf32>
    %reduce_sum3A_39 = vector.multi_reduction <add>, %add3A_38, %reduce_sum3A [0] : vector<10000x128xf32> to vector<128xf32>
    %broadcast_in_dim3A = vector.shape_cast %reduce_sum3A_39 : vector<128xf32> to vector<1x128xf32>
    %div3A = arith.constant 1.000000e+04 : f32
    %div3A_40 = vector.broadcast %div3A : f32 to vector<1x128xf32>
    %div3A_41 = arith.divf %broadcast_in_dim3A, %div3A_40 : vector<1x128xf32>
    %mul3A = arith.mulf %add3A_38, %add3A_38 : vector<10000x128xf32>
    %reduce_sum3A_42 = arith.constant dense<0.000000e+00> : vector<128xf32>
    %reduce_sum3A_43 = vector.multi_reduction <add>, %mul3A, %reduce_sum3A_42 [0] : vector<10000x128xf32> to vector<128xf32>
    %broadcast_in_dim3A_44 = vector.shape_cast %reduce_sum3A_43 : vector<128xf32> to vector<1x128xf32>
    %div3A_45 = arith.constant 1.000000e+04 : f32
    %div3A_46 = vector.broadcast %div3A_45 : f32 to vector<1x128xf32>
    %div3A_47 = arith.divf %broadcast_in_dim3A_44, %div3A_46 : vector<1x128xf32>
    %mul3A_48 = arith.mulf %div3A_41, %div3A_41 : vector<1x128xf32>
    %sub3A_49 = arith.subf %div3A_47, %mul3A_48 : vector<1x128xf32>
    %sub3A_50 = vector.broadcast %div3A_41 : vector<1x128xf32> to vector<10000x128xf32>
    %sub3A_51 = arith.subf %add3A_38, %sub3A_50 : vector<10000x128xf32>
    %add3A_52 = arith.constant 9.99999974E-6 : f32
    %add3A_53 = vector.broadcast %add3A_52 : f32 to vector<1x128xf32>
    %add3A_54 = arith.addf %sub3A_49, %add3A_53 : vector<1x128xf32>
    %rsqrt3A = math.rsqrt %add3A_54 : vector<1x128xf32>
    %mul3A_55 = vector.broadcast %rsqrt3A : vector<1x128xf32> to vector<10000x128xf32>
    %mul3A_56 = arith.mulf %sub3A_51, %mul3A_55 : vector<10000x128xf32>
    %mul3A_57 = vector.broadcast %get3A_20 : vector<1x128xf32> to vector<10000x128xf32>
    %mul3A_58 = arith.mulf %mul3A_56, %mul3A_57 : vector<10000x128xf32>
    %add3A_59 = vector.broadcast %get3A_23 : vector<1x128xf32> to vector<10000x128xf32>
    %add3A_60 = arith.addf %mul3A_58, %add3A_59 : vector<10000x128xf32>
    %max3A = arith.constant 0.000000e+00 : f32
    %max3A_61 = vector.broadcast %max3A : f32 to vector<10000x128xf32>
    %max3A_62 = arith.maximumf %add3A_60, %max3A_61 : vector<10000x128xf32>
    %dot_general3A_63 = arith.constant dense<0.000000e+00> : vector<10000x128xf32>
    %dot_general3A_64 = tpu.matmul %max3A_62, %get3A_26, %dot_general3A_63 {dimension_numbers = #tpu.dot_dimension_numbers<[1], [0], [0], [1], [0, 0, 1, 1], [], []>, transpose_lhs_hint = false} : vector<10000x128xf32>, vector<128x128xf32>, vector<10000x128xf32> -> vector<10000x128xf32>
    %add3A_65 = vector.broadcast %get3A_29 : vector<1x128xf32> to vector<10000x128xf32>
    %add3A_66 = arith.addf %dot_general3A_64, %add3A_65 : vector<10000x128xf32>
    %reduce_sum3A_67 = arith.constant dense<0.000000e+00> : vector<128xf32>
    %reduce_sum3A_68 = vector.multi_reduction <add>, %add3A_66, %reduce_sum3A_67 [0] : vector<10000x128xf32> to vector<128xf32>
    %broadcast_in_dim3A_69 = vector.shape_cast %reduce_sum3A_68 : vector<128xf32> to vector<1x128xf32>
    %div3A_70 = arith.constant 1.000000e+04 : f32
    %div3A_71 = vector.broadcast %div3A_70 : f32 to vector<1x128xf32>
    %div3A_72 = arith.divf %broadcast_in_dim3A_69, %div3A_71 : vector<1x128xf32>
    %mul3A_73 = arith.mulf %add3A_66, %add3A_66 : vector<10000x128xf32>
    %reduce_sum3A_74 = arith.constant dense<0.000000e+00> : vector<128xf32>
    %reduce_sum3A_75 = vector.multi_reduction <add>, %mul3A_73, %reduce_sum3A_74 [0] : vector<10000x128xf32> to vector<128xf32>
    %broadcast_in_dim3A_76 = vector.shape_cast %reduce_sum3A_75 : vector<128xf32> to vector<1x128xf32>
    %div3A_77 = arith.constant 1.000000e+04 : f32
    %div3A_78 = vector.broadcast %div3A_77 : f32 to vector<1x128xf32>
    %div3A_79 = arith.divf %broadcast_in_dim3A_76, %div3A_78 : vector<1x128xf32>
    %mul3A_80 = arith.mulf %div3A_72, %div3A_72 : vector<1x128xf32>
    %sub3A_81 = arith.subf %div3A_79, %mul3A_80 : vector<1x128xf32>
    %sub3A_82 = vector.broadcast %div3A_72 : vector<1x128xf32> to vector<10000x128xf32>
    %sub3A_83 = arith.subf %add3A_66, %sub3A_82 : vector<10000x128xf32>
    %add3A_84 = arith.constant 9.99999974E-6 : f32
    %add3A_85 = vector.broadcast %add3A_84 : f32 to vector<1x128xf32>
    %add3A_86 = arith.addf %sub3A_81, %add3A_85 : vector<1x128xf32>
    %rsqrt3A_87 = math.rsqrt %add3A_86 : vector<1x128xf32>
    %mul3A_88 = vector.broadcast %rsqrt3A_87 : vector<1x128xf32> to vector<10000x128xf32>
    %mul3A_89 = arith.mulf %sub3A_83, %mul3A_88 : vector<10000x128xf32>
    %mul3A_90 = vector.broadcast %get3A_32 : vector<1x128xf32> to vector<10000x128xf32>
    %mul3A_91 = arith.mulf %mul3A_89, %mul3A_90 : vector<10000x128xf32>
    %add3A_92 = vector.broadcast %get3A_35 : vector<1x128xf32> to vector<10000x128xf32>
    %add3A_93 = arith.addf %mul3A_91, %add3A_92 : vector<10000x128xf32>
    %max3A_94 = arith.constant 0.000000e+00 : f32
    %max3A_95 = vector.broadcast %max3A_94 : f32 to vector<10000x128xf32>
    %max3A_96 = arith.maximumf %add3A_93, %max3A_95 : vector<10000x128xf32>
    %iota3A = tpu.iota {dimensions = array<i32: 0>} : vector<64x10000xi32>
    %get3A_97 = arith.constant 0 : index
    %get3A_98 = arith.constant 0 : index
    %get3A_99 = vector.load %arg2[%get3A_97, %get3A_98] : memref<1x10000xi32, #tpu.memory_space<vmem>>, vector<1x10000xi32>
    %eq3A = vector.broadcast %get3A_99 : vector<1x10000xi32> to vector<64x10000xi32>
    %eq3A_100 = arith.cmpi eq, %eq3A, %iota3A : vector<64x10000xi32>
    %convert_element_type3A = arith.extui %eq3A_100 : vector<64x10000xi1> to vector<64x10000xi32>
    %convert_element_type3A_101 = arith.sitofp %convert_element_type3A : vector<64x10000xi32> to vector<64x10000xf32>
    %concatenate3A = tpu.concatenate %get3A_1, %max3A_96 in 1 : vector<10000x128xf32>, vector<10000x128xf32> -> vector<10000x256xf32>
    %dot_general3A_102 = arith.constant dense<0.000000e+00> : vector<64x256xf32>
    %dot_general3A_103 = tpu.matmul %convert_element_type3A_101, %concatenate3A, %dot_general3A_102 {dimension_numbers = #tpu.dot_dimension_numbers<[1], [0], [0], [1], [0, 0, 1, 1], [], []>, transpose_lhs_hint = false} : vector<64x10000xf32>, vector<10000x256xf32>, vector<64x256xf32> -> vector<64x256xf32>
    %get3A_104 = arith.constant 0 : index
    %get3A_105 = arith.constant 0 : index
    %get3A_106 = vector.load %arg11[%get3A_104, %get3A_105] : memref<256x128xf32, #tpu.memory_space<vmem>>, vector<256x128xf32>
    %dot_general3A_107 = arith.constant dense<0.000000e+00> : vector<64x128xf32>
    %dot_general3A_108 = tpu.matmul %dot_general3A_103, %get3A_106, %dot_general3A_107 {dimension_numbers = #tpu.dot_dimension_numbers<[1], [0], [0], [1], [0, 0, 1, 1], [], []>, transpose_lhs_hint = false} : vector<64x256xf32>, vector<256x128xf32>, vector<64x128xf32> -> vector<64x128xf32>
    %get3A_109 = arith.constant 0 : index
    %get3A_110 = arith.constant 0 : index
    %get3A_111 = vector.load %arg12[%get3A_109, %get3A_110] : memref<1x128xf32, #tpu.memory_space<vmem>>, vector<1x128xf32>
    %add3A_112 = vector.broadcast %get3A_111 : vector<1x128xf32> to vector<64x128xf32>
    %add3A_113 = arith.addf %dot_general3A_108, %add3A_112 : vector<64x128xf32>
    %max3A_114 = arith.constant 0.000000e+00 : f32
    %max3A_115 = vector.broadcast %max3A_114 : f32 to vector<64x128xf32>
    %max3A_116 = arith.maximumf %add3A_113, %max3A_115 : vector<64x128xf32>
    %get3A_117 = arith.constant 0 : index
    %get3A_118 = arith.constant 0 : index
    %get3A_119 = vector.load %arg13[%get3A_117, %get3A_118] : memref<128x16xf32, #tpu.memory_space<vmem>>, vector<128x16xf32>
    %dot_general3A_120 = arith.constant dense<0.000000e+00> : vector<64x16xf32>
    %dot_general3A_121 = tpu.matmul %max3A_116, %get3A_119, %dot_general3A_120 {dimension_numbers = #tpu.dot_dimension_numbers<[1], [0], [0], [1], [0, 0, 1, 1], [], []>, transpose_lhs_hint = false} : vector<64x128xf32>, vector<128x16xf32>, vector<64x16xf32> -> vector<64x16xf32>
    %get3A_122 = arith.constant 0 : index
    %get3A_123 = arith.constant 0 : index
    %get3A_124 = vector.load %arg14[%get3A_122, %get3A_123] : memref<1x16xf32, #tpu.memory_space<vmem>>, vector<1x16xf32>
    %add3A_125 = vector.broadcast %get3A_124 : vector<1x16xf32> to vector<64x16xf32>
    %add3A_126 = arith.addf %dot_general3A_121, %add3A_125 : vector<64x16xf32>
    %swap3A = arith.constant 0 : index
    %swap3A_127 = arith.constant 0 : index
    %swap3A_128 = vector.load %arg15[%swap3A, %swap3A_127] : memref<64x16xf32, #tpu.memory_space<vmem>>, vector<64x16xf32>
    tpu.vector_store %arg15[%swap3A, %swap3A_127], %add3A_126 {strides = array<i32>} : memref<64x16xf32, #tpu.memory_space<vmem>>, vector<64x16xf32>,
    return
  }
}

</mosaic_0001>

<sc_bundles>
// kernel: kernel.6.cloned.1.call-start
scs
__scs_entry_jumppad:
0x0: {  	(pc) =	sbr.rel $0x88, $3  }
0x1: {  	(tag) =	ssettag $0x0;
	lr =	simm.s32 $0x1  }
0x2: {  	[smem:$0x3F8A] =	sst lr;
	_ =	strace $0xD0000000  }
0x3: {  	_ = 	snop  }
0x4: {  	_ = 	snop  }
0x5: {  	_ = 	snop  }
0x6: {  	_ = 	snop  }
0x7: {  	_ = 	snop  }
__scs_overlays_trampoline_lowered:
0x8: {  	[smem:$0x3F99] =	sst s0  }
0x9: {  	[smem:$0x3F9A] =	sst s1  }
0xa: {  	[smem:$0x3F9B] =	sst s2  }
0xb: {  	[smem:$0x3F9C] =	sst s3  }
0xc: {  	[smem:$0x3F9D] =	sst s4  }
0xd: {  	[smem:$0x3F9E] =	sst s5  }
0xe: {  	[smem:$0x3F9F] =	sst s6  }
0xf: {  	[smem:$0x3FA0] =	sst s7  }
0x10: {  	[smem:$0x3FA1] =	sst s8  }
0x11: {  	[smem:$0x3FA2] =	sst s9;
	s0 =	simm.s32 @!p0 $0x0  }
0x12: {  	s1 =	sld [smem:$0x3F88];
	s0 =	simm.s32 @p0 $0x1  }
0x13: {  	[smem:$0x3FA3] =	sst s0;
	s0 =	simm.s32 @!p1 $0x0  }
0x14: {  	s2 =	sld [smem:$0x3F87];
	s0 =	simm.s32 @p1 $0x1  }
0x15: {  	[smem:$0x3FA4] =	sst s0;
	s0 =	simm.s32 @!p2 $0x0  }
0x16: {  	s3 =	sld [smem:$0x3FDB];
	s0 =	simm.s32 @p2 $0x1  }
0x17: {  	s4 =	simm.s32 $0x1BF5;
	[smem:$0x3FA6] =	sst s0  }
0x18: {  	s0 =	sld [smem:$0x3F89];
	_ =	swait.ge [sflag:s4], $0x0  }
0x19: {  	s7 =	sld [smem:$0x3F8A]  }
0x1a: {  	s8 =	sadd.s32 $0xFFFFE003, lr  }
0x1b: {  	s9 =	sadd.s32 $0xFFFFFEF7, lr;
	s5 =	simm.s32 $0xFFFFFFFF;
	p2 =	slt.u32 s8, $0xFFFFF086  }
0x1c: {  	p1 =	slt.u32 s9, $0xF7A;
	s5 =	simm.s32 @!p2 $0x0  }
0x1d: {  	s5 =	simm.s32 @p1 $0x1;
	p0 =	seq.s32 s7, s2  }
0x1e: {  	s7 =	smul.u32 @!p0 $0xF7A, s2;
	p2 =	seq.s32 @!p0 s5, $0x0  }
0x1f: {  	s9 =	smul.u32 $0xF7A, s1;
	s8 =	simm.s32 @!p0 $0x1BF5;
	p2 =	por !p2, p0  }
0x20: {  	[sflag:s8] =	ssyncset.s32 @!p0 $0xFFFFF086;
	s6 =	sadd.s32 @!p0 s3, s7;
	s7 =	simm.s32 @!p0 $0x108  }
0x21: {  	s3 =	sadd.s32 s3, s9;
	s6 =	sadd.s32 @!p0 $0x88, s6;
	s7 =	simm.s32 @p2 $0x1082  }
0x22: {  	[simem:s7], [sflag:s8] =	dma.local @!p0 [hbm:s6], $0xF7A  }
0x23: {  	s9 =	sor.u32 $0xD0000000, s2;
	s6 =	simm.s32 $0x108;
	_ =	swait.ge @!p0 [sflag:s8], $0x0  }
0x24: {  	s3 =	sadd.s32 $0x88, s3;
	s6 =	simm.s32 @!p1 $0x1082;
	[sflag:s4] =	ssyncset.s32 $0xFFFFF086  }
0x25: {  	[simem:s6], [sflag:s4] =	dma.local [hbm:s3], $0xF7A  }
0x26: {  	[smem:$0x3F8A] =	sst s1;
	(tag) =	ssettag s2;
	_ =	strace s9  }
0x27: {  	s1 =	sld [smem:$0x3F9A]  }
0x28: {  	s2 =	sld [smem:$0x3F9B]  }
0x29: {  	s4 =	sld [smem:$0x3F9D]  }
0x2a: {  	p0 =	seq.s32 s5, $0x0;
	s5 =	sld [smem:$0x3F9E]  }
0x2b: {  	s6 =	sld [smem:$0x3F9F]  }
0x2c: {  	s7 =	sld [smem:$0x3FA0]  }
0x2d: {  	s3 =	simm.s32 $0x108;
	s8 =	sld [smem:$0x3FA1]  }
0x2e: {  	s3 =	simm.s32 @!p0 $0x1082;
	s9 =	sld [smem:$0x3FA2]  }
0x2f: {  	lr =	sadd.s32 s0, s3;
	s0 =	sld [smem:$0x3F99]  }
0x30: {  	s3 =	sld [smem:$0x3F9C]  }
0x31: {  	[smem:$0x3FA5] =	sst s10  }
0x32: {  	s10 =	sld [smem:$0x3FA3];
	_ =	sdelay $0x3  }
0x33: {  	p0 =	seq.s32 s10, $0x1;
	s10 =	sld [smem:$0x3FA5];
	_ =	sdelay $0x3  }
0x34: {  	[smem:$0x3FA5] =	sst s10  }
0x35: {  	s10 =	sld [smem:$0x3FA4];
	_ =	sdelay $0x3  }
0x36: {  	p1 =	seq.s32 s10, $0x1;
	s10 =	sld [smem:$0x3FA5];
	_ =	sdelay $0x3  }
0x37: {  	[smem:$0x3FA5] =	sst s10  }
0x38: {  	s10 =	sld [smem:$0x3FA6]  }
0x39: {  	_ = 	snop;
	(pc) =	sbr.ind lr, $3  }
0x3a: {  	_ = 	snop  }
0x3b: {  	_ = 	snop  }
0x3c: {  	p2 =	seq.s32 s10, $0x1;
	s10 =	sld [smem:$0x3FA5]  }
0x3d: {  	_ =	shalt  }
0x3e: {  	_ =	shalt  }
0x3f: {  	_ =	shalt  }
0x40: {  	_ =	shalt  }
0x41: {  	_ =	shalt  }
0x42: {  	_ =	shalt  }
0x43: {  	_ =	shalt  }
0x44: {  	_ =	shalt  }
0x45: {  	_ =	shalt  }
0x46: {  	_ =	shalt  }
0x47: {  	_ =	shalt  }
0x48: {  	_ =	shalt  }
0x49: {  	_ =	shalt  }
0x4a: {  	_ =	shalt  }
0x4b: {  	_ =	shalt  }
0x4c: {  	_ =	shalt  }
0x4d: {  	_ =	shalt  }
0x4e: {  	_ =	shalt  }
0x4f: {  	_ =	shalt  }
0x50: {  	_ =	shalt  }
0x51: {  	_ =	shalt  }
0x52: {  	_ =	shalt  }
0x53: {  	_ =	shalt  }
0x54: {  	_ =	shalt  }
0x55: {  	_ =	shalt  }
0x56: {  	_ =	shalt  }
0x57: {  	_ =	shalt  }
0x58: {  	_ =	shalt  }
0x59: {  	_ =	shalt  }
0x5a: {  	_ =	shalt  }
0x5b: {  	_ =	shalt  }
0x5c: {  	_ =	shalt  }
0x5d: {  	_ =	shalt  }
0x5e: {  	_ =	shalt  }
0x5f: {  	_ =	shalt  }
0x60: {  	_ =	shalt  }
0x61: {  	_ =	shalt  }
0x62: {  	_ =	shalt  }
0x63: {  	_ =	shalt  }
0x64: {  	_ =	shalt  }
0x65: {  	_ =	shalt  }
0x66: {  	_ =	shalt  }
0x67: {  	_ =	shalt  }
0x68: {  	_ =	shalt  }
0x69: {  	_ =	shalt  }
0x6a: {  	_ =	shalt  }
0x6b: {  	_ =	shalt  }
0x6c: {  	_ =	shalt  }
0x6d: {  	_ =	shalt  }
0x6e: {  	_ =	shalt  }
0x6f: {  	_ =	shalt  }
0x70: {  	_ =	shalt  }
0x71: {  	_ =	shalt  }
0x72: {  	_ =	shalt  }
0x73: {  	_ =	shalt  }
0x74: {  	_ =	shalt  }
0x75: {  	_ =	shalt  }
0x76: {  	_ =	shalt  }
0x77: {  	_ =	shalt  }
0x78: {  	_ =	shalt  }
0x79: {  	_ =	shalt  }
0x7a: {  	_ =	shalt  }
0x7b: {  	_ =	shalt  }
0x7c: {  	_ =	shalt  }
0x7d: {  	_ =	shalt  }
0x7e: {  	_ =	shalt  }
0x7f: {  	_ =	shalt  }
0x80: {  	_ =	shalt  }
0x81: {  	_ =	shalt  }
0x82: {  	_ =	shalt  }
0x83: {  	_ =	shalt  }
0x84: {  	_ =	shalt  }
0x85: {  	_ =	shalt  }
0x86: {  	_ =	shalt  }
0x87: {  	_ =	shalt  }
.Lfunc_end0:
.L_simem_size_0:
called_computation_lowered:
.L_overlay_start_0:
0x88: {  	s2 =	sld [smem:$0x3FD9]  }
0x89: {  	s3 =	sld [smem:$0x3FFE];
	_ =	sdelay $0x1  }
0x8a: {  	s1 =	srdreg.scid  }
0x8b: {  	s0 =	sand.u32 $0x1, s1  }
0x8c: {  	s17 =	sshll.u32 s0, $0xA;
	s2 =	sadd.s32 s3, s2  }
0x8d: {  	s2 =	sadd.s32 s2, s17  }
0x8e: {  	[smem:$0x3FB1] =	sst s2  }
0x8f: {  	_ = 	snop  }
0x90: {  	s2 =	sld [smem:$0x3FC9];
	(tm) =	ssettm $0x1  }
0x91: {  	s18 =	sld [smem:$0x3FFB];
	_ =	sdelay $0x3  }
0x92: {  	_ =	strace s18  }
0x93: {  	s3 =	sld [smem:$0x3FFC];
	_ =	sdelay $0x3  }
0x94: {  	_ =	strace s3  }
0x95: {  	s3 =	sld [smem:$0x3FFD];
	_ =	sdelay $0x3  }
0x96: {  	_ =	strace s3  }
0x97: {  	_ =	strace $0x8FFFFFFF  }
0x98: {  	s19 =	sld [smem:$0x3FDB];
	_ =	sdelay $0x1  }
0x99: {  	s4 =	simm.s32 $_scs_section_size  }
0x9a: {  	s5 =	simm.s32 $_size__tile_overlayer_lowered;
	s6 =	simm.s32 $_tile_overlayer_lowered  }
0x9b: {  	s22 =	simm.s32 $0x1BFF;
	s21 =	sshll.u32 s6, $0x1;
	s3 =	sadd.s32 s4, s19  }
0x9c: {  	s7 =	simm.s32 $0x0;
	s20 =	sshll.u32 s5, $0x1;
	s5 =	sadd.s32 s21, s3  }
0x9d: {  	[timem:s7], [sflag:s22] =	dma.local [hbm:s5], s20  }
0x9e: {  	_ =	swait.ge [sflag:s22], s20  }
0x9f: {  	s4 =	ssub.s32 $0x0, s20;
	[sflag:s22] =	ssyncset.done $0x0  }
0xa0: {  	[sflag:s22] =	ssyncadd.s32 s4;
	_ =	sdelay $0x1  }
0xa1: {  	s23 =	simm.s32 $0x1B8B  }
0xa2: {  	_ =	swait.ge [sflag:s23], $0x1  }
0xa3: {  	[sflag:s23] =	ssyncset.done $0x0  }
0xa4: {  	s25 =	simm.s32 $0x1B8E;
	s24 =	sld [smem:$0x3FFE];
	[sflag:s23] =	ssyncadd.s32 $0xFFFFFFFF  }
0xa5: {  	s26 =	simm.s32 $execute0_lowered;
	[smem:$0x3FD2] =	sst s25  }
0xa6: {  	s5 =	sshll.u32 s26, $0x1;
	_ =	strace $0x80000046;
	[dreg:$0x1] =	wrdreg $0xFFFFFFFF  }
0xa7: {  	s28 =	simm.s32 $_size_execute0_lowered;
	s3 =	sadd.s32 s3, s5;
	[dreg:$0x0] =	wrdreg $0x0  }
0xa8: {  	s5 =	sshll.u32 s28, $0x1;
	[dreg:$0x2] =	wrdreg s3  }
0xa9: {  	[dreg:$0x3] =	wrdreg s5  }
0xaa: {  	[dreg:$0x4] =	wrdreg $0xC0  }
0xab: {  	_ =	task [dreg:s7], $0x5FFFF  }
0xac: {  	[dreg:$0x1] =	wrdreg $0xFFFFFFFF  }
0xad: {  	[dreg:$0x0] =	wrdreg $0x60  }
0xae: {  	[dreg:$0x2] =	wrdreg s2  }
0xaf: {  	[dreg:$0x3] =	wrdreg s24  }
0xb0: {  	[dreg:$0x4] =	wrdreg $0xC0000  }
0xb1: {  	[dreg:$0x5] =	wrdreg $0x9  }
0xb2: {  	_ =	task.clear_ibuf [dreg:s7], $0x6FFFF;
	_ =	strace $0x90000046  }
0xb3: {  	s29 =	simm.s32 $0x9;
	_ =	strace $0x80000048  }
0xb4: {  	_ =	swait.ge [sflag:s29], $0x1  }
0xb5: {  	[sflag:s29] =	ssyncadd.s32 $0xFFFFFFFF  }
0xb6: {  	_ =	strace $0x90000048  }
0xb7: {  	_ =	sfence  }
0xb8: {  	s30 =	sld [smem:$0x0];
	_ =	sdelay $0x2  }
0xb9: {  	s31 =	sshll.u32 s1, $0xD;
	s1 =	sshrl.u32 s1, $0x2  }
0xba: {  	s3 =	sand.u32 $0x4000, s31;
	s1 =	sadd.s32 s1, s30  }
0xbb: {  	s0 =	sor.u32 s3, s0;
	s1 =	sshll.u32 s1, $0x11  }
0xbc: {  	s0 =	sor.u32 s1, s0  }
0xbd: {  	s0 =	sadd.s32 $0x8F2B, s0  }
0xbe: {  	[sflag:s0] =	ssyncadd.remote.s32 $0x1  }
0xbf: {  	_ =	sfence.sel $0xFFFF  }
0xc0: {  	[dreg:$0x0] =	wrdreg $0xFFFFFFFF;
	(pc) =	sbr.abs _section_cstart, $3  }
0xc1: {  	[dreg:$0x1] =	wrdreg $0xFFFFFFFF  }
0xc2: {  	_ =	task.clear_ibuf [dreg:s7], $0x2FFFF;
	_ =	strace $0x9FFFFFFF  }
0xc3: {  	(tm) =	ssettm $0x7FFFFFFF  }
tec
execute0_lowered:
.L_overlay_start_1:
0x0: {  	(tag) =	ssettag $0x1  }
0x1: {  	s1 =	rddreg [dreg:$0x0]  }
0x2: {  	s0 =	rddreg [dreg:$0x1]  }
0x3: {  	s2 =	rddreg [dreg:$0x2];
	s3 =	simm.s32 $0x0;
	s4 =	srdreg.scid  }
0x4: {  	s6 =	stileid.u32;
	s16 =	simm.s32 $0x50;
	s17 =	simm.s32 $0x2000  }
0x5: {  	s18 =	simm.s32 $0x80;
	s19 =	simm.s32 $0x4800;
	s20 =	simm.s32 $0x100  }
0x6: {  	s21 =	simm.s32 $0x7000;
	[smem:$0x7FF] =	sst s3;
	s7 =	sand.u32 $0x1, s4  }
0x7: {  	s4 =	sadd.s32 $0x3A00, s0;
	s9 =	smul.u32 $0x4E000, s6;
	s5 =	sadd.s32 $0x17A00, s0  }
0x8: {  	s0 =	sadd.s32 $0x2BA00, s0;
	s11 =	sshll.u32 s6, $0x1;
	s12 =	smul.u32 $0x13800, s6  }
0x9: {  	s24 =	sshll.u32 s6, $0x6;
	s15 =	sadd.s32 $0x138000, s2;
	s26 =	sadd.s32 $0x27000, s1  }
0xa: {  	p0 =	sne.s32 s6, $0x0;
	_ =	strace $0x80000047;
	s8 =	ssub.s32 $0x2, s7  }
0xb: {  	s22 =	sor.u32 s7, s11;
	s14 =	smul.u32 $0x138800, s7;
	s7 =	sor.u32 $0x1C05, s24  }
0xc: {  	[dreg:$0x5] =	wrdreg s26;
	s15 =	sshrl.u32 @!p0 s15, $0x3;
	s10 =	sshrl.u32 s8, $0x1  }
0xd: {  	s9 =	sshrl.u32 s9, $0x2;
	s23 =	sshrl.u32 s12, $0x3;
	s8 =	ssub.s32 s8, s10  }
0xe: {  	s13 =	sadd.s32 s9, s2;
	s25 =	sadd.s32 s1, s23;
	s28 =	sadd.s32 s12, s14  }
0xf: {  	s29 =	sshrl.u32 s14, $0x3;
	s9 =	smul.u32 $0x5000, s22;
	s14 =	simm.s32 $0x5  }
0x10: {  	s22 =	simm.s32 $0x180;
	s23 =	simm.s32 $0x9800;
	[dreg:$0x4] =	wrdreg s25  }
0x11: {  	s30 =	sshrl.u32 s28, $0x3;
	s31 =	sadd.s32 s0, s29;
	s12 =	smax.u32 s8, $0x1  }
0x12: {  	s13 =	sshrl.u32 s13, $0x3;
	s10 =	sadd.s32 s0, s30;
	s11 =	sadd.s32 $0x27000, s31  }
.LBB2_1:
0x13: {  	s0 =	rddreg [dreg:$0x4]  }
0x14: {  	[spmem:s13], [sflag:s7] =	dma.local [hbm:s0], $0x2700  }
0x15: {  	_ =	swait.ge [sflag:s14], $0x2700  }
0x16: {  	[sflag:s14] =	ssyncset.done $0x0  }
0x17: {  	s0 =	rddreg [dreg:$0x5];
	[sflag:s14] =	ssyncadd.s32 $0xFFFFD900  }
0x18: {  	[spmem:s15], [sflag:s7] =	dma.local @!p0 [hbm:s0], $0x100  }
0x19: {  	s0 =	simm.s32 @!p0 $0x5  }
0x1a: {  	_ =	swait.ge @!p0 [sflag:s0], $0x100  }
0x1b: {  	[sflag:s0] =	ssyncset.done @!p0 $0x0  }
0x1c: {  	[sflag:s0] =	ssyncadd.s32 @!p0 $0xFFFFFF00  }
0x1d: {  	s24 =	simm.s32 $0x0;
	[bflag:$0x0] =	sbarrier.arrive $0xFFFF  }
.LBB2_2:
0x1e: {  	s0 =	sshll.u32 s24, $0xC  }
0x1f: {  	s0 =	sadd.s32 s9, s0  }
0x20: {  	s0 =	sshrl.u32 s0, $0x3  }
0x21: {  	s8 =	simm.s32 $0x0;
	s6 =	sadd.s32 s4, s0  }
0x22: {  	[tilespmem:s8], [sflag:$0x5] =	stream.linear.gather [hbm4b:s6+s8], $0xC80, $0x38;
	[tilespmem:$0x1F880] =	vst v63  }
0x23: {  	_ =	swait.ge [sflag:s14], $0xC80  }
0x24: {  	[sflag:s14] =	ssyncset.done $0x0  }
0x25: {  	s26 =	simm.s32 $0x1000;
	s0 =	sadd.s32 s5, s0;
	[sflag:s14] =	ssyncadd.s32 $0xFFFFF380  }
0x26: {  	[tilespmem:s26], [sflag:$0x5] =	stream.linear.gather [hbm4b:s0+s8], $0xC80, $0x38;
	[tilespmem:$0x1F880] =	vst v63  }
0x27: {  	_ =	swait.ge [sflag:s14], $0xC80  }
0x28: {  	[sflag:s14] =	ssyncset.done $0x0  }
0x29: {  	[sflag:s14] =	ssyncadd.s32 $0xFFFFF380  }
0x2a: {  	[tilespmem:s17], [sflag:$0x1] =	stream.indirect.gather [hbm4b:s1+s16], $0x80, s8, s16, $0xb8;
	[tilespmem:$0x1F880] =	vst v63  }
0x2b: {  	_ = 	snop  }
0x2c: {  	[tilespmem:s19], [sflag:$0x2] =	stream.indirect.gather [hbm4b:s1+s16], $0x80, s18, s16, $0xb8;
	[tilespmem:$0x1F880] =	vst v63  }
0x2d: {  	s8 =	sand.u32 $0x3, s8  }
0x2e: {  	[tilespmem:s21], [sflag:$0x3] =	stream.indirect.gather [hbm4b:s1+s16], $0x80, s20, s16, $0xb8;
	[tilespmem:$0x1F880] =	vst v63  }
0x2f: {  	s25 =	smul.u32 $0xA000, s8;
	s29 =	sadd.s32 $0x1, s8  }
0x30: {  	[tilespmem:s23], [sflag:$0x4] =	stream.indirect.gather [hbm4b:s1+s16], $0x80, s22, s16, $0xb8;
	[tilespmem:$0x1F880] =	vst v63  }
0x31: {  	_ =	swait.ge [sflag:s29], $0x2800  }
0x32: {  	s28 =	simm.s32 $0x200;
	s8 =	sshrl.u32 s25, $0x2;
	[sflag:s29] =	ssyncset.done $0x0  }
0x33: {  	p2 =	por $0x0, $0x0;
	s6 =	sadd.s32 $0x2000, s8;
	[sflag:s29] =	ssyncadd.s32 $0xFFFFD800  }
0x34: {  	[spmem:s2] =	stream.indirect.scatter.add.f32 [tilespmem:s6], [sflag:$0x5], $0x80, s26, s16, $0xb8;
	[tilespmem:$0x1F880] =	vst v63  }
0x35: {  	s30 =	simm.s32 $0x1080;
	s25 =	simm.s32 $0x1;
	_ =	swait.ge [sflag:s14], $0x2800  }
0x36: {  	s0 =	simm.s32 $0x2;
	s31 =	sand.u32 $0x3, s25;
	[sflag:s14] =	ssyncset.done $0x0  }
0x37: {  	s8 =	simm.s32 @!p2 $0x50;
	s26 =	simm.s32 $0x280;
	[sflag:s14] =	ssyncadd.s32 $0xFFFFD800  }
.LBB2_3:
0x38: {  	[tilespmem:s6], [sflag:s29] =	stream.indirect.gather @!p2 [hbm4b:s1+s8], $0x80, s28, s8, $0xb8;
	[tilespmem:$0x1F880] =	vst v63  }
0x39: {  	s8 =	smov.u32 s25;
	s25 =	smov.u32 s0;
	s28 =	smov.u32 s26  }
0x3a: {  	s6 =	smul.u32 $0xA000, s31;
	s29 =	sadd.s32 $0x1, s31;
	s31 =	sand.u32 $0x3, s0  }
0x3b: {  	s0 =	sadd.s32 $0x1, s0;
	_ =	swait.ge [sflag:s29], $0x2800  }
0x3c: {  	p1 =	sne.s32 s0, $0x19;
	s6 =	sshrl.u32 s6, $0x2;
	[sflag:s29] =	ssyncset.done $0x0  }
.Ltmp0:
0x3d: {  	s6 =	sadd.s32 $0x2000, s6;
	[sflag:s29] =	ssyncadd.s32 $0xFFFFD800;
	(pc) =	sbr.rel @p1 .LBB2_3-.Ltmp0, $4  }
0x3e: {  	[spmem:s2] =	stream.indirect.scatter.add.f32 [tilespmem:s6], [sflag:$0x5], $0x80, s30, s16, $0xb8;
	[tilespmem:$0x1F880] =	vst v63  }
0x3f: {  	_ =	swait.ge [sflag:s14], $0x2800  }
0x40: {  	p2 =	sgt.u32 s8, $0x14;
	s30 =	sadd.s32 $0x80, s30;
	[sflag:s14] =	ssyncset.done $0x0  }
0x41: {  	s26 =	sadd.s32 $0x80, s26;
	s8 =	simm.s32 @!p2 $0x50;
	[sflag:s14] =	ssyncadd.s32 $0xFFFFD800  }
0x42: {  	[tilespmem:s6], [sflag:s29] =	stream.indirect.gather @!p2 [hbm4b:s1+s8], $0x80, s28, s8, $0xb8;
	[tilespmem:$0x1F880] =	vst v63  }
0x43: {  	s0 =	smul.u32 $0xA000, s31;
	s6 =	sadd.s32 $0x1, s31  }
0x44: {  	_ =	swait.ge [sflag:s6], $0x2800  }
0x45: {  	s0 =	sshrl.u32 s0, $0x2;
	[sflag:s6] =	ssyncset.done $0x0  }
0x46: {  	s0 =	sadd.s32 $0x2000, s0;
	[sflag:s6] =	ssyncadd.s32 $0xFFFFD800  }
0x47: {  	[spmem:s2] =	stream.indirect.scatter.add.f32 [tilespmem:s0], [sflag:$0x5], $0x80, s30, s16, $0xb8;
	[tilespmem:$0x1F880] =	vst v63  }
0x48: {  	_ =	swait.ge [sflag:s14], $0x2800  }
0x49: {  	p1 =	sgt.u32 s25, $0x14;
	[sflag:s14] =	ssyncset.done $0x0  }
0x4a: {  	s24 =	sadd.s32 $0x1, s24;
	s8 =	simm.s32 @!p1 $0x50;
	[sflag:s14] =	ssyncadd.s32 $0xFFFFD800  }
0x4b: {  	[tilespmem:s0], [sflag:s6] =	stream.indirect.gather @!p1 [hbm4b:s1+s8], $0x80, s26, s8, $0xb8;
	[tilespmem:$0x1F880] =	vst v63  }
0x4c: {  	p1 =	sne.s32 s24, $0x5  }
.Ltmp1:
0x4d: {  	_ = 	snop;
	(pc) =	sbr.rel @p1 .LBB2_2-.Ltmp1, $1  }
0x4e: {  	_ =	sdelay $0x3  }
0x4f: {  	[bflag:$0x0] =	sbarrier.arrive $0xFFFF  }
0x50: {  	[hbm:s10], [sflag:s7] =	dma.local [spmem:s13], $0x2700  }
0x51: {  	s3 =	sadd.s32 $0x1, s3;
	_ =	swait.ge [sflag:s14], $0x2700  }
0x52: {  	p1 =	sne.s32 s3, s12;
	[sflag:s14] =	ssyncset.done $0x0  }
.Ltmp2:
0x53: {  	s0 =	simm.s32 @!p0 $0x5;
	[sflag:s14] =	ssyncadd.s32 $0xFFFFD900;
	(pc) =	sbr.rel @p1 .LBB2_1-.Ltmp2, $4  }
0x54: {  	[hbm:s11], [sflag:s7] =	dma.local @!p0 [spmem:s15], $0x100  }
0x55: {  	_ =	swait.ge @!p0 [sflag:s0], $0x100  }
0x56: {  	[sflag:s0] =	ssyncset.done @!p0 $0x0  }
0x57: {  	[sflag:s0] =	ssyncadd.s32 @!p0 $0xFFFFFF00  }
0x58: {  	_ =	sfence.sel $0x180000  }
0x59: {  	[bflag:$0x0] =	sbarrier.arrive $0xFFFF  }
0x5a: {  	_ =	strace $0x90000047  }
0x5b: {  	[bflag:$0x2] =	sbarrier.arrive $0xFFFF  }
0x5c: {  	s0 =	rddreg [dreg:$0x3]  }
0x5d: {  	s0 =	sadd.s32 @!p0 $0x100000, s0  }
0x5e: {  	[sflag:s0] =	ssyncadd.tile.s32 @!p0 $0x1;
	_ =	shalt  }
.Lfunc_end2:
_tile_overlayer_lowered:
.L_overlay_start_2:
0x5f: {  	(tag) =	ssettag $0x2  }
0x60: {  	s0 =	rddreg [dreg:$0x0];
	s2 =	stileid.u32  }
0x61: {  	s1 =	rddreg [dreg:$0x1];
	p0 =	sne.s32 s2, $0x0  }
0x62: {  	s3 =	rddreg [dreg:$0x2];
	[bflag:$0x3] =	sbarrier.arrive $0xFFFF;
	s2 =	simm.s32 @!p0 $0x1C05  }
0x63: {  	[timem:s3], [sflag:s2] =	dma.local @!p0 [hbm:s0], s1  }
0x64: {  	s0 =	simm.s32 @!p0 $0x5  }
0x65: {  	_ =	swait.ge @!p0 [sflag:s0], s1  }
0x66: {  	s1 =	ssub.s32 @!p0 $0x0, s1;
	[sflag:s0] =	ssyncset.done @!p0 $0x0  }
0x67: {  	[sflag:s0] =	ssyncadd.s32 @!p0 s1  }
0x68: {  	[bflag:$0x3] =	sbarrier.arrive $0xFFFF  }
0x69: {  	_ =	shalt  }

// kernel: kernel.9.cloned.1.call-start
scs
__scs_entry_jumppad:
0x0: {  	(pc) =	sbr.rel $0x88, $3  }
0x1: {  	(tag) =	ssettag $0x0;
	lr =	simm.s32 $0x1  }
0x2: {  	[smem:$0x3F8A] =	sst lr;
	_ =	strace $0xD0000000  }
0x3: {  	_ = 	snop  }
0x4: {  	_ = 	snop  }
0x5: {  	_ = 	snop  }
0x6: {  	_ = 	snop  }
0x7: {  	_ = 	snop  }
__scs_overlays_trampoline_lowered:
0x8: {  	[smem:$0x3F99] =	sst s0  }
0x9: {  	[smem:$0x3F9A] =	sst s1  }
0xa: {  	[smem:$0x3F9B] =	sst s2  }
0xb: {  	[smem:$0x3F9C] =	sst s3  }
0xc: {  	[smem:$0x3F9D] =	sst s4  }
0xd: {  	[smem:$0x3F9E] =	sst s5  }
0xe: {  	[smem:$0x3F9F] =	sst s6  }
0xf: {  	[smem:$0x3FA0] =	sst s7  }
0x10: {  	[smem:$0x3FA1] =	sst s8  }
0x11: {  	[smem:$0x3FA2] =	sst s9;
	s0 =	simm.s32 @!p0 $0x0  }
0x12: {  	s1 =	sld [smem:$0x3F88];
	s0 =	simm.s32 @p0 $0x1  }
0x13: {  	[smem:$0x3FA3] =	sst s0;
	s0 =	simm.s32 @!p1 $0x0  }
0x14: {  	s2 =	sld [smem:$0x3F87];
	s0 =	simm.s32 @p1 $0x1  }
0x15: {  	[smem:$0x3FA4] =	sst s0;
	s0 =	simm.s32 @!p2 $0x0  }
0x16: {  	s3 =	sld [smem:$0x3FDB];
	s0 =	simm.s32 @p2 $0x1  }
0x17: {  	s4 =	simm.s32 $0x1BF5;
	[smem:$0x3FA6] =	sst s0  }
0x18: {  	s0 =	sld [smem:$0x3F89];
	_ =	swait.ge [sflag:s4], $0x0  }
0x19: {  	s7 =	sld [smem:$0x3F8A]  }
0x1a: {  	s8 =	sadd.s32 $0xFFFFE003, lr  }
0x1b: {  	s9 =	sadd.s32 $0xFFFFFEF7, lr;
	s5 =	simm.s32 $0xFFFFFFFF;
	p2 =	slt.u32 s8, $0xFFFFF086  }
0x1c: {  	p1 =	slt.u32 s9, $0xF7A;
	s5 =	simm.s32 @!p2 $0x0  }
0x1d: {  	s5 =	simm.s32 @p1 $0x1;
	p0 =	seq.s32 s7, s2  }
0x1e: {  	s7 =	smul.u32 @!p0 $0xF7A, s2;
	p2 =	seq.s32 @!p0 s5, $0x0  }
0x1f: {  	s9 =	smul.u32 $0xF7A, s1;
	s8 =	simm.s32 @!p0 $0x1BF5;
	p2 =	por !p2, p0  }
0x20: {  	[sflag:s8] =	ssyncset.s32 @!p0 $0xFFFFF086;
	s6 =	sadd.s32 @!p0 s3, s7;
	s7 =	simm.s32 @!p0 $0x108  }
0x21: {  	s3 =	sadd.s32 s3, s9;
	s6 =	sadd.s32 @!p0 $0x88, s6;
	s7 =	simm.s32 @p2 $0x1082  }
0x22: {  	[simem:s7], [sflag:s8] =	dma.local @!p0 [hbm:s6], $0xF7A  }
0x23: {  	s9 =	sor.u32 $0xD0000000, s2;
	s6 =	simm.s32 $0x108;
	_ =	swait.ge @!p0 [sflag:s8], $0x0  }
0x24: {  	s3 =	sadd.s32 $0x88, s3;
	s6 =	simm.s32 @!p1 $0x1082;
	[sflag:s4] =	ssyncset.s32 $0xFFFFF086  }
0x25: {  	[simem:s6], [sflag:s4] =	dma.local [hbm:s3], $0xF7A  }
0x26: {  	[smem:$0x3F8A] =	sst s1;
	(tag) =	ssettag s2;
	_ =	strace s9  }
0x27: {  	s1 =	sld [smem:$0x3F9A]  }
0x28: {  	s2 =	sld [smem:$0x3F9B]  }
0x29: {  	s4 =	sld [smem:$0x3F9D]  }
0x2a: {  	p0 =	seq.s32 s5, $0x0;
	s5 =	sld [smem:$0x3F9E]  }
0x2b: {  	s6 =	sld [smem:$0x3F9F]  }
0x2c: {  	s7 =	sld [smem:$0x3FA0]  }
0x2d: {  	s3 =	simm.s32 $0x108;
	s8 =	sld [smem:$0x3FA1]  }
0x2e: {  	s3 =	simm.s32 @!p0 $0x1082;
	s9 =	sld [smem:$0x3FA2]  }
0x2f: {  	lr =	sadd.s32 s0, s3;
	s0 =	sld [smem:$0x3F99]  }
0x30: {  	s3 =	sld [smem:$0x3F9C]  }
0x31: {  	[smem:$0x3FA5] =	sst s10  }
0x32: {  	s10 =	sld [smem:$0x3FA3];
	_ =	sdelay $0x3  }
0x33: {  	p0 =	seq.s32 s10, $0x1;
	s10 =	sld [smem:$0x3FA5];
	_ =	sdelay $0x3  }
0x34: {  	[smem:$0x3FA5] =	sst s10  }
0x35: {  	s10 =	sld [smem:$0x3FA4];
	_ =	sdelay $0x3  }
0x36: {  	p1 =	seq.s32 s10, $0x1;
	s10 =	sld [smem:$0x3FA5];
	_ =	sdelay $0x3  }
0x37: {  	[smem:$0x3FA5] =	sst s10  }
0x38: {  	s10 =	sld [smem:$0x3FA6]  }
0x39: {  	_ = 	snop;
	(pc) =	sbr.ind lr, $3  }
0x3a: {  	_ = 	snop  }
0x3b: {  	_ = 	snop  }
0x3c: {  	p2 =	seq.s32 s10, $0x1;
	s10 =	sld [smem:$0x3FA5]  }
0x3d: {  	_ =	shalt  }
0x3e: {  	_ =	shalt  }
0x3f: {  	_ =	shalt  }
0x40: {  	_ =	shalt  }
0x41: {  	_ =	shalt  }
0x42: {  	_ =	shalt  }
0x43: {  	_ =	shalt  }
0x44: {  	_ =	shalt  }
0x45: {  	_ =	shalt  }
0x46: {  	_ =	shalt  }
0x47: {  	_ =	shalt  }
0x48: {  	_ =	shalt  }
0x49: {  	_ =	shalt  }
0x4a: {  	_ =	shalt  }
0x4b: {  	_ =	shalt  }
0x4c: {  	_ =	shalt  }
0x4d: {  	_ =	shalt  }
0x4e: {  	_ =	shalt  }
0x4f: {  	_ =	shalt  }
0x50: {  	_ =	shalt  }
0x51: {  	_ =	shalt  }
0x52: {  	_ =	shalt  }
0x53: {  	_ =	shalt  }
0x54: {  	_ =	shalt  }
0x55: {  	_ =	shalt  }
0x56: {  	_ =	shalt  }
0x57: {  	_ =	shalt  }
0x58: {  	_ =	shalt  }
0x59: {  	_ =	shalt  }
0x5a: {  	_ =	shalt  }
0x5b: {  	_ =	shalt  }
0x5c: {  	_ =	shalt  }
0x5d: {  	_ =	shalt  }
0x5e: {  	_ =	shalt  }
0x5f: {  	_ =	shalt  }
0x60: {  	_ =	shalt  }
0x61: {  	_ =	shalt  }
0x62: {  	_ =	shalt  }
0x63: {  	_ =	shalt  }
0x64: {  	_ =	shalt  }
0x65: {  	_ =	shalt  }
0x66: {  	_ =	shalt  }
0x67: {  	_ =	shalt  }
0x68: {  	_ =	shalt  }
0x69: {  	_ =	shalt  }
0x6a: {  	_ =	shalt  }
0x6b: {  	_ =	shalt  }
0x6c: {  	_ =	shalt  }
0x6d: {  	_ =	shalt  }
0x6e: {  	_ =	shalt  }
0x6f: {  	_ =	shalt  }
0x70: {  	_ =	shalt  }
0x71: {  	_ =	shalt  }
0x72: {  	_ =	shalt  }
0x73: {  	_ =	shalt  }
0x74: {  	_ =	shalt  }
0x75: {  	_ =	shalt  }
0x76: {  	_ =	shalt  }
0x77: {  	_ =	shalt  }
0x78: {  	_ =	shalt  }
0x79: {  	_ =	shalt  }
0x7a: {  	_ =	shalt  }
0x7b: {  	_ =	shalt  }
0x7c: {  	_ =	shalt  }
0x7d: {  	_ =	shalt  }
0x7e: {  	_ =	shalt  }
0x7f: {  	_ =	shalt  }
0x80: {  	_ =	shalt  }
0x81: {  	_ =	shalt  }
0x82: {  	_ =	shalt  }
0x83: {  	_ =	shalt  }
0x84: {  	_ =	shalt  }
0x85: {  	_ =	shalt  }
0x86: {  	_ =	shalt  }
0x87: {  	_ =	shalt  }
.Lfunc_end0:
.L_simem_size_0:
called_computation.1_lowered:
.L_overlay_start_0:
0x88: {  	s2 =	sld [smem:$0x3FD9]  }
0x89: {  	s3 =	sld [smem:$0x3FFE];
	_ =	sdelay $0x1  }
0x8a: {  	s1 =	srdreg.scid  }
0x8b: {  	s0 =	sand.u32 $0x1, s1  }
0x8c: {  	s16 =	sshll.u32 s0, $0xA;
	s2 =	sadd.s32 s3, s2  }
0x8d: {  	s2 =	sadd.s32 s2, s16  }
0x8e: {  	[smem:$0x3FB1] =	sst s2  }
0x8f: {  	_ = 	snop  }
0x90: {  	(tm) =	ssettm $0x1  }
0x91: {  	s17 =	sld [smem:$0x3FFB];
	_ =	sdelay $0x3  }
0x92: {  	_ =	strace s17  }
0x93: {  	s2 =	sld [smem:$0x3FFC];
	_ =	sdelay $0x3  }
0x94: {  	_ =	strace s2  }
0x95: {  	s2 =	sld [smem:$0x3FFD];
	_ =	sdelay $0x3  }
0x96: {  	_ =	strace s2  }
0x97: {  	_ =	strace $0x8FFFFFFF  }
0x98: {  	s18 =	sld [smem:$0x3FDB];
	_ =	sdelay $0x1  }
0x99: {  	s19 =	simm.s32 $_scs_section_size  }
0x9a: {  	s4 =	simm.s32 $_size__tile_overlayer_lowered;
	s5 =	simm.s32 $_tile_overlayer_lowered  }
0x9b: {  	s22 =	simm.s32 $0x1BFF;
	s21 =	sshll.u32 s5, $0x1;
	s2 =	sadd.s32 s19, s18  }
0x9c: {  	s6 =	simm.s32 $0x0;
	s20 =	sshll.u32 s4, $0x1;
	s4 =	sadd.s32 s21, s2  }
0x9d: {  	[timem:s6], [sflag:s22] =	dma.local [hbm:s4], s20  }
0x9e: {  	_ =	swait.ge [sflag:s22], s20  }
0x9f: {  	s3 =	ssub.s32 $0x0, s20;
	[sflag:s22] =	ssyncset.done $0x0  }
0xa0: {  	[sflag:s22] =	ssyncadd.s32 s3;
	_ =	sdelay $0x1  }
0xa1: {  	s23 =	simm.s32 $0x1B8B  }
0xa2: {  	_ =	swait.ge [sflag:s23], $0x1  }
0xa3: {  	[sflag:s23] =	ssyncset.done $0x0  }
0xa4: {  	s25 =	simm.s32 $0x1B8E;
	s24 =	sld [smem:$0x3FFE];
	[sflag:s23] =	ssyncadd.s32 $0xFFFFFFFF  }
0xa5: {  	s26 =	simm.s32 $execute0_lowered;
	[smem:$0x3FD2] =	sst s25  }
0xa6: {  	s4 =	sshll.u32 s26, $0x1;
	_ =	strace $0x80000049;
	[dreg:$0x1] =	wrdreg $0xFFFFFFFF  }
0xa7: {  	s28 =	simm.s32 $_size_execute0_lowered;
	s2 =	sadd.s32 s2, s4;
	[dreg:$0x0] =	wrdreg $0x0  }
0xa8: {  	s4 =	sshll.u32 s28, $0x1;
	[dreg:$0x2] =	wrdreg s2  }
0xa9: {  	[dreg:$0x3] =	wrdreg s4  }
0xaa: {  	[dreg:$0x4] =	wrdreg $0xC0  }
0xab: {  	_ =	task [dreg:s6], $0x5FFFF  }
0xac: {  	[dreg:$0x1] =	wrdreg $0xFFFFFFFF  }
0xad: {  	[dreg:$0x0] =	wrdreg $0x60  }
0xae: {  	[dreg:$0x2] =	wrdreg s24  }
0xaf: {  	[dreg:$0x3] =	wrdreg $0xC0000  }
0xb0: {  	[dreg:$0x4] =	wrdreg $0x9  }
0xb1: {  	_ =	task.clear_ibuf [dreg:s6], $0x5FFFF;
	_ =	strace $0x90000049  }
0xb2: {  	s29 =	simm.s32 $0x9;
	_ =	strace $0x8000004B  }
0xb3: {  	_ =	swait.ge [sflag:s29], $0x1  }
0xb4: {  	[sflag:s29] =	ssyncadd.s32 $0xFFFFFFFF  }
0xb5: {  	_ =	strace $0x9000004B  }
0xb6: {  	_ =	sfence  }
0xb7: {  	s30 =	sld [smem:$0x0];
	_ =	sdelay $0x2  }
0xb8: {  	s31 =	sshll.u32 s1, $0xD;
	s1 =	sshrl.u32 s1, $0x2  }
0xb9: {  	s3 =	sand.u32 $0x4000, s31;
	s1 =	sadd.s32 s1, s30  }
0xba: {  	s0 =	sor.u32 s3, s0;
	s1 =	sshll.u32 s1, $0x11  }
0xbb: {  	s0 =	sor.u32 s1, s0  }
0xbc: {  	s0 =	sadd.s32 $0x8F2B, s0  }
0xbd: {  	[sflag:s0] =	ssyncadd.remote.s32 $0x1  }
0xbe: {  	_ =	sfence.sel $0xFFFF  }
0xbf: {  	[dreg:$0x0] =	wrdreg $0xFFFFFFFF;
	(pc) =	sbr.abs _section_cstart, $3  }
0xc0: {  	[dreg:$0x1] =	wrdreg $0xFFFFFFFF  }
0xc1: {  	_ =	task.clear_ibuf [dreg:s6], $0x2FFFF;
	_ =	strace $0x9FFFFFFF  }
0xc2: {  	(tm) =	ssettm $0x7FFFFFFF  }
0xc3: {  	_ =	shalt  }
tec
execute0_lowered:
.L_overlay_start_1:
0x0: {  	(tag) =	ssettag $0x1  }
0x1: {  	s0 =	rddreg [dreg:$0x0]  }
0x2: {  	s1 =	rddreg [dreg:$0x1]  }
0x3: {  	s2 =	simm.s32 $0x0;
	s4 =	srdreg.scid;
	s6 =	stileid.u32  }
0x4: {  	s17 =	simm.s32 $0x2000;
	s18 =	simm.s32 $0x80;
	s19 =	simm.s32 $0x4800  }
0x5: {  	s20 =	simm.s32 $0x100;
	s21 =	simm.s32 $0x7000;
	s22 =	simm.s32 $0x180  }
0x6: {  	s23 =	simm.s32 $0x9800;
	[smem:$0x7FF] =	sst s2;
	s3 =	sadd.s32 $0x2BA00, s0  }
0x7: {  	s7 =	sand.u32 $0x1, s4;
	s4 =	sadd.s32 $0x3A00, s0;
	s9 =	smul.u32 $0x4E000, s6  }
0x8: {  	s5 =	sadd.s32 $0x17A00, s0;
	s10 =	sadd.s32 $0x52C00, s0;
	s12 =	sshll.u32 s6, $0x1  }
0x9: {  	s13 =	smul.u32 $0x13800, s6;
	s26 =	sshll.u32 s6, $0x6;
	s16 =	sadd.s32 $0x138000, s1  }
0xa: {  	s0 =	sadd.s32 $0x52A00, s0;
	p0 =	sne.s32 s6, $0x0;
	_ =	strace $0x8000004A  }
0xb: {  	s8 =	ssub.s32 $0x2, s7;
	s24 =	sor.u32 s7, s12;
	s15 =	smul.u32 $0x138800, s7  }
0xc: {  	s7 =	sor.u32 $0x1C05, s26;
	[dreg:$0x4] =	wrdreg s0;
	s11 =	sshrl.u32 s8, $0x1  }
0xd: {  	s9 =	sshrl.u32 s9, $0x2;
	s25 =	sshrl.u32 s13, $0x3;
	s8 =	ssub.s32 s8, s11  }
0xe: {  	s14 =	sadd.s32 s9, s1;
	s28 =	sadd.s32 s3, s25;
	s29 =	sadd.s32 s13, s15  }
0xf: {  	s30 =	sshrl.u32 s15, $0x3;
	s9 =	smul.u32 $0x5000, s24;
	s15 =	sshrl.u32 @!p0 s16, $0x3  }
0x10: {  	s16 =	simm.s32 $0x50;
	[dreg:$0x3] =	wrdreg s28;
	s0 =	sshrl.u32 s29, $0x3  }
0x11: {  	s31 =	sadd.s32 s10, s30;
	s12 =	smax.u32 s8, $0x1;
	s13 =	sshrl.u32 s14, $0x3  }
0x12: {  	s14 =	simm.s32 $0x5;
	s10 =	sadd.s32 s10, s0;
	s11 =	sadd.s32 $0x27000, s31  }
.LBB2_1:
0x13: {  	s0 =	rddreg [dreg:$0x3]  }
0x14: {  	[spmem:s13], [sflag:s7] =	dma.local [hbm:s0], $0x2700  }
0x15: {  	_ =	swait.ge [sflag:s14], $0x2700  }
0x16: {  	[sflag:s14] =	ssyncset.done $0x0  }
0x17: {  	s0 =	rddreg [dreg:$0x4];
	[sflag:s14] =	ssyncadd.s32 $0xFFFFD900  }
0x18: {  	[spmem:s15], [sflag:s7] =	dma.local @!p0 [hbm:s0], $0x100  }
0x19: {  	s0 =	simm.s32 @!p0 $0x5  }
0x1a: {  	_ =	swait.ge @!p0 [sflag:s0], $0x100  }
0x1b: {  	[sflag:s0] =	ssyncset.done @!p0 $0x0  }
0x1c: {  	[sflag:s0] =	ssyncadd.s32 @!p0 $0xFFFFFF00  }
0x1d: {  	s24 =	simm.s32 $0x0;
	[bflag:$0x0] =	sbarrier.arrive $0xFFFF  }
.LBB2_2:
0x1e: {  	s0 =	sshll.u32 s24, $0xC  }
0x1f: {  	s0 =	sadd.s32 s9, s0  }
0x20: {  	s0 =	sshrl.u32 s0, $0x3  }
0x21: {  	s8 =	simm.s32 $0x0;
	s6 =	sadd.s32 s4, s0  }
0x22: {  	[tilespmem:s8], [sflag:$0x5] =	stream.linear.gather [hbm4b:s6+s8], $0xC80, $0x38;
	[tilespmem:$0x1F880] =	vst v63  }
0x23: {  	_ =	swait.ge [sflag:s14], $0xC80  }
0x24: {  	[sflag:s14] =	ssyncset.done $0x0  }
0x25: {  	s26 =	simm.s32 $0x1000;
	s0 =	sadd.s32 s5, s0;
	[sflag:s14] =	ssyncadd.s32 $0xFFFFF380  }
0x26: {  	[tilespmem:s26], [sflag:$0x5] =	stream.linear.gather [hbm4b:s0+s8], $0xC80, $0x38;
	[tilespmem:$0x1F880] =	vst v63  }
0x27: {  	_ =	swait.ge [sflag:s14], $0xC80  }
0x28: {  	[sflag:s14] =	ssyncset.done $0x0  }
0x29: {  	[sflag:s14] =	ssyncadd.s32 $0xFFFFF380  }
0x2a: {  	[tilespmem:s17], [sflag:$0x1] =	stream.indirect.gather [hbm4b:s3+s16], $0x80, s8, s16, $0xb8;
	[tilespmem:$0x1F880] =	vst v63  }
0x2b: {  	_ = 	snop  }
0x2c: {  	[tilespmem:s19], [sflag:$0x2] =	stream.indirect.gather [hbm4b:s3+s16], $0x80, s18, s16, $0xb8;
	[tilespmem:$0x1F880] =	vst v63  }
0x2d: {  	s8 =	sand.u32 $0x3, s8  }
0x2e: {  	[tilespmem:s21], [sflag:$0x3] =	stream.indirect.gather [hbm4b:s3+s16], $0x80, s20, s16, $0xb8;
	[tilespmem:$0x1F880] =	vst v63  }
0x2f: {  	s25 =	smul.u32 $0xA000, s8;
	s29 =	sadd.s32 $0x1, s8  }
0x30: {  	[tilespmem:s23], [sflag:$0x4] =	stream.indirect.gather [hbm4b:s3+s16], $0x80, s22, s16, $0xb8;
	[tilespmem:$0x1F880] =	vst v63  }
0x31: {  	_ =	swait.ge [sflag:s29], $0x2800  }
0x32: {  	s28 =	simm.s32 $0x200;
	s8 =	sshrl.u32 s25, $0x2;
	[sflag:s29] =	ssyncset.done $0x0  }
0x33: {  	p2 =	por $0x0, $0x0;
	s6 =	sadd.s32 $0x2000, s8;
	[sflag:s29] =	ssyncadd.s32 $0xFFFFD800  }
0x34: {  	[spmem:s1] =	stream.indirect.scatter.add.f32 [tilespmem:s6], [sflag:$0x5], $0x80, s26, s16, $0xb8;
	[tilespmem:$0x1F880] =	vst v63  }
0x35: {  	s30 =	simm.s32 $0x1080;
	s25 =	simm.s32 $0x1;
	_ =	swait.ge [sflag:s14], $0x2800  }
0x36: {  	s0 =	simm.s32 $0x2;
	s31 =	sand.u32 $0x3, s25;
	[sflag:s14] =	ssyncset.done $0x0  }
0x37: {  	s8 =	simm.s32 @!p2 $0x50;
	s26 =	simm.s32 $0x280;
	[sflag:s14] =	ssyncadd.s32 $0xFFFFD800  }
.LBB2_3:
0x38: {  	[tilespmem:s6], [sflag:s29] =	stream.indirect.gather @!p2 [hbm4b:s3+s8], $0x80, s28, s8, $0xb8;
	[tilespmem:$0x1F880] =	vst v63  }
0x39: {  	s8 =	smov.u32 s25;
	s25 =	smov.u32 s0;
	s28 =	smov.u32 s26  }
0x3a: {  	s6 =	smul.u32 $0xA000, s31;
	s29 =	sadd.s32 $0x1, s31;
	s31 =	sand.u32 $0x3, s0  }
0x3b: {  	s0 =	sadd.s32 $0x1, s0;
	_ =	swait.ge [sflag:s29], $0x2800  }
0x3c: {  	p1 =	sne.s32 s0, $0x19;
	s6 =	sshrl.u32 s6, $0x2;
	[sflag:s29] =	ssyncset.done $0x0  }
.Ltmp0:
0x3d: {  	s6 =	sadd.s32 $0x2000, s6;
	[sflag:s29] =	ssyncadd.s32 $0xFFFFD800;
	(pc) =	sbr.rel @p1 .LBB2_3-.Ltmp0, $4  }
0x3e: {  	[spmem:s1] =	stream.indirect.scatter.add.f32 [tilespmem:s6], [sflag:$0x5], $0x80, s30, s16, $0xb8;
	[tilespmem:$0x1F880] =	vst v63  }
0x3f: {  	_ =	swait.ge [sflag:s14], $0x2800  }
0x40: {  	p2 =	sgt.u32 s8, $0x14;
	s30 =	sadd.s32 $0x80, s30;
	[sflag:s14] =	ssyncset.done $0x0  }
0x41: {  	s26 =	sadd.s32 $0x80, s26;
	s8 =	simm.s32 @!p2 $0x50;
	[sflag:s14] =	ssyncadd.s32 $0xFFFFD800  }
0x42: {  	[tilespmem:s6], [sflag:s29] =	stream.indirect.gather @!p2 [hbm4b:s3+s8], $0x80, s28, s8, $0xb8;
	[tilespmem:$0x1F880] =	vst v63  }
0x43: {  	s0 =	smul.u32 $0xA000, s31;
	s6 =	sadd.s32 $0x1, s31  }
0x44: {  	_ =	swait.ge [sflag:s6], $0x2800  }
0x45: {  	s0 =	sshrl.u32 s0, $0x2;
	[sflag:s6] =	ssyncset.done $0x0  }
0x46: {  	s0 =	sadd.s32 $0x2000, s0;
	[sflag:s6] =	ssyncadd.s32 $0xFFFFD800  }
0x47: {  	[spmem:s1] =	stream.indirect.scatter.add.f32 [tilespmem:s0], [sflag:$0x5], $0x80, s30, s16, $0xb8;
	[tilespmem:$0x1F880] =	vst v63  }
0x48: {  	_ =	swait.ge [sflag:s14], $0x2800  }
0x49: {  	p1 =	sgt.u32 s25, $0x14;
	[sflag:s14] =	ssyncset.done $0x0  }
0x4a: {  	s24 =	sadd.s32 $0x1, s24;
	s8 =	simm.s32 @!p1 $0x50;
	[sflag:s14] =	ssyncadd.s32 $0xFFFFD800  }
0x4b: {  	[tilespmem:s0], [sflag:s6] =	stream.indirect.gather @!p1 [hbm4b:s3+s8], $0x80, s26, s8, $0xb8;
	[tilespmem:$0x1F880] =	vst v63  }
0x4c: {  	p1 =	sne.s32 s24, $0x5  }
.Ltmp1:
0x4d: {  	_ = 	snop;
	(pc) =	sbr.rel @p1 .LBB2_2-.Ltmp1, $1  }
0x4e: {  	_ =	sdelay $0x3  }
0x4f: {  	[bflag:$0x0] =	sbarrier.arrive $0xFFFF  }
0x50: {  	[hbm:s10], [sflag:s7] =	dma.local [spmem:s13], $0x2700  }
0x51: {  	s2 =	sadd.s32 $0x1, s2;
	_ =	swait.ge [sflag:s14], $0x2700  }
0x52: {  	p1 =	sne.s32 s2, s12;
	[sflag:s14] =	ssyncset.done $0x0  }
.Ltmp2:
0x53: {  	s0 =	simm.s32 @!p0 $0x5;
	[sflag:s14] =	ssyncadd.s32 $0xFFFFD900;
	(pc) =	sbr.rel @p1 .LBB2_1-.Ltmp2, $4  }
0x54: {  	[hbm:s11], [sflag:s7] =	dma.local @!p0 [spmem:s15], $0x100  }
0x55: {  	_ =	swait.ge @!p0 [sflag:s0], $0x100  }
0x56: {  	[sflag:s0] =	ssyncset.done @!p0 $0x0  }
0x57: {  	[sflag:s0] =	ssyncadd.s32 @!p0 $0xFFFFFF00  }
0x58: {  	_ =	sfence.sel $0x180000  }
0x59: {  	[bflag:$0x0] =	sbarrier.arrive $0xFFFF  }
0x5a: {  	_ =	strace $0x9000004A  }
0x5b: {  	[bflag:$0x2] =	sbarrier.arrive $0xFFFF  }
0x5c: {  	s0 =	rddreg [dreg:$0x2]  }
0x5d: {  	s0 =	sadd.s32 @!p0 $0x100000, s0  }
0x5e: {  	[sflag:s0] =	ssyncadd.tile.s32 @!p0 $0x1;
	_ =	shalt  }
.Lfunc_end2:
_tile_overlayer_lowered:
.L_overlay_start_2:
0x5f: {  	(tag) =	ssettag $0x2  }
0x60: {  	s0 =	rddreg [dreg:$0x0];
	s2 =	stileid.u32  }
0x61: {  	s1 =	rddreg [dreg:$0x1];
	p0 =	sne.s32 s2, $0x0  }
0x62: {  	s3 =	rddreg [dreg:$0x2];
	[bflag:$0x3] =	sbarrier.arrive $0xFFFF;
	s2 =	simm.s32 @!p0 $0x1C05  }
0x63: {  	[timem:s3], [sflag:s2] =	dma.local @!p0 [hbm:s0], s1  }
0x64: {  	s0 =	simm.s32 @!p0 $0x5  }
0x65: {  	_ =	swait.ge @!p0 [sflag:s0], s1  }
0x66: {  	s1 =	ssub.s32 @!p0 $0x0, s1;
	[sflag:s0] =	ssyncset.done @!p0 $0x0  }
0x67: {  	[sflag:s0] =	ssyncadd.s32 @!p0 s1  }
0x68: {  	[bflag:$0x3] =	sbarrier.arrive $0xFFFF  }
0x69: {  	_ =	shalt  }

</sc_bundles>
